<compile_context>
chip_gen: v7x
topology: tpu7x:2x2x1
jax: 0.10.2.dev20260603
libtpu: 0.0.44.dev20260713+nightly
codegen_flags: <defaults>
</compile_context>

<pallas_src>
import functools

import jax
import jax.numpy as jnp
from jax import lax
from jax.experimental import pallas as pl
from jax.experimental.pallas import tpu as pltpu
from jax.experimental.pallas import tpu_sc as plsc

F = 16
B = 16384
NU = 1000000
NI = 100000
NC = 2
NS = 16
NW = NC * NS
BPW = B // NW
CHB = 512
NCH = BPW // CHB
CCK = CHB // F

TCC = 131072
NUB = (NU + TCC - 1) // TCC
NUP = NUB * TCC


def _repack_body(a_ref, *out_refs):
    for r in range(8):
        out_refs[r][...] = a_ref[r, :]


def _repack1(a_t):
    blk = lambda: pl.BlockSpec((TCC,), lambda kk, j: (kk * NUB + j,))
    return pl.pallas_call(
        _repack_body,
        grid=(2, NUB),
        in_specs=[pl.BlockSpec((8, TCC), lambda kk, j: (kk, j))],
        out_specs=[blk() for _ in range(8)],
        out_shape=[jax.ShapeDtypeStruct((2 * NUP,), jnp.float32)
                   for _ in range(8)],
    )(a_t)


def _sc_items_body(items_h, ig_h, im_h,
                   igr_o, im_o,
                   iidx, kidxi, ig_p, im_p, ig_s, im_s, sem):
    wid = lax.axis_index("s") * NC + lax.axis_index("c")
    base = wid * BPW
    pltpu.sync_copy(items_h.at[pl.ds(base, BPW)], iidx)
    rowoff = lax.iota(jnp.int32, F) * CHB

    for c in range(NCH):
        r0 = c * CHB

        def bump(g, carry, r0=r0):
            it = iidx[pl.ds(r0 + g * F, F)]
            for k in range(F):
                kidxi[pl.ds(k * CHB + g * F, F)] = it + (k * NI)
            return carry

        lax.fori_loop(0, CCK, bump, 0)
        c0 = pltpu.async_copy(ig_h.at[kidxi], ig_p, sem)
        c1 = pltpu.async_copy(im_h.at[kidxi], im_p, sem)
        c0.wait()
        c1.wait()

        def asm(i, carry):
            idxv = rowoff + i
            ig_s[i] = plsc.load_gather(ig_p, [idxv])
            im_s[i] = plsc.load_gather(im_p, [idxv])
            return carry

        lax.fori_loop(0, CHB, asm, 0)
        pltpu.sync_copy(ig_s, igr_o.at[pl.ds(base + r0, CHB)])
        pltpu.sync_copy(im_s, im_o.at[pl.ds(base + r0, CHB)])


_sc_items = functools.partial(
    pl.kernel,
    mesh=plsc.VectorSubcoreMesh(core_axis_name="c", subcore_axis_name="s"),
    compiler_params=pltpu.CompilerParams(
        needs_layout_passes=False, use_tc_tiling_on_sc=False),
    out_type=[
        jax.ShapeDtypeStruct((B, F), jnp.float32),
        jax.ShapeDtypeStruct((B, F), jnp.float32),
    ],
    scratch_types=[
        pltpu.VMEM((BPW,), jnp.int32),
        pltpu.VMEM((F * CHB,), jnp.int32),
        pltpu.VMEM((F * CHB,), jnp.float32),
        pltpu.VMEM((F * CHB,), jnp.float32),
        pltpu.VMEM((CHB, F), jnp.float32),
        pltpu.VMEM((CHB, F), jnp.float32),
        pltpu.SemaphoreType.DMA,
    ],
)(_sc_items_body)


def _user_gather_loop(users_h, planes, uidx, kidxu1, bufs, sems, emit):
    def bump(g, carry):
        s = pl.ds(g * F, F)
        kidxu1[s] = uidx[s] + NUP
        return carry

    lax.fori_loop(0, BPW // F, bump, 0)

    def fire(c):
        b = c % 2
        r0 = c * CHB
        u0 = uidx.at[pl.ds(r0, CHB)]
        u1 = kidxu1.at[pl.ds(r0, CHB)]
        cs = []
        for r in range(8):
            cs.append(pltpu.async_copy(
                planes[r].at[u0], bufs[b].at[pl.ds(r * CHB, CHB)], sems[b]))
            cs.append(pltpu.async_copy(
                planes[r].at[u1],
                bufs[b].at[pl.ds((8 + r) * CHB, CHB)], sems[b]))
        return cs

    pending = fire(0)
    for c in range(NCH):
        for cp in pending:
            cp.wait()
        if c + 1 < NCH:
            pending = fire(c + 1)
        emit(c, c % 2)


def _sc_ug_body(users_h, igr_h, *rest):
    planes = rest[0:8]
    gmf_o = rest[8]
    (uidx, kidxu1, p0, p1, ig_r, gm_s, sem0, sem1) = rest[9:]
    bufs, sems = (p0, p1), (sem0, sem1)

    wid = lax.axis_index("s") * NC + lax.axis_index("c")
    base = wid * BPW
    pltpu.sync_copy(users_h.at[pl.ds(base, BPW)], uidx)
    rowoff = lax.iota(jnp.int32, F) * CHB

    def emit(c, b):
        r0 = c * CHB
        pltpu.sync_copy(igr_h.at[pl.ds(base + r0, CHB)], ig_r)

        def asm(i, carry, b=b):
            ug = plsc.load_gather(bufs[b], [rowoff + i])
            gm_s[i] = ug * ig_r[i]
            return carry

        lax.fori_loop(0, CHB, asm, 0)
        pltpu.sync_copy(gm_s, gmf_o.at[pl.ds(base + r0, CHB)])

    _user_gather_loop(users_h, planes, uidx, kidxu1, bufs, sems, emit)


def _sc_um_body(users_h, *rest):
    planes = rest[0:8]
    um_o = rest[8]
    (uidx, kidxu1, p0, p1, um_s, sem0, sem1) = rest[9:]
    bufs, sems = (p0, p1), (sem0, sem1)

    wid = lax.axis_index("s") * NC + lax.axis_index("c")
    base = wid * BPW
    pltpu.sync_copy(users_h.at[pl.ds(base, BPW)], uidx)
    rowoff = lax.iota(jnp.int32, F) * CHB

    def emit(c, b):
        r0 = c * CHB

        def asm(i, carry, b=b):
            um_s[i] = plsc.load_gather(bufs[b], [rowoff + i])
            return carry

        lax.fori_loop(0, CHB, asm, 0)
        pltpu.sync_copy(um_s, um_o.at[pl.ds(base + r0, CHB)])

    _user_gather_loop(users_h, planes, uidx, kidxu1, bufs, sems, emit)


_ug_scratch = [
    pltpu.VMEM((BPW,), jnp.int32),
    pltpu.VMEM((BPW,), jnp.int32),
    pltpu.VMEM((F * CHB,), jnp.float32),
    pltpu.VMEM((F * CHB,), jnp.float32),
    pltpu.VMEM((CHB, F), jnp.float32),
    pltpu.VMEM((CHB, F), jnp.float32),
    pltpu.SemaphoreType.DMA,
    pltpu.SemaphoreType.DMA,
]

_sc_ug = functools.partial(
    pl.kernel,
    mesh=plsc.VectorSubcoreMesh(core_axis_name="c", subcore_axis_name="s"),
    compiler_params=pltpu.CompilerParams(
        needs_layout_passes=False, use_tc_tiling_on_sc=False),
    out_type=[jax.ShapeDtypeStruct((B, F), jnp.float32)],
    scratch_types=list(_ug_scratch),
)(_sc_ug_body)

_sc_um = functools.partial(
    pl.kernel,
    mesh=plsc.VectorSubcoreMesh(core_axis_name="c", subcore_axis_name="s"),
    compiler_params=pltpu.CompilerParams(
        needs_layout_passes=False, use_tc_tiling_on_sc=False),
    out_type=[jax.ShapeDtypeStruct((B, F), jnp.float32)],
    scratch_types=[
        pltpu.VMEM((BPW,), jnp.int32),
        pltpu.VMEM((BPW,), jnp.int32),
        pltpu.VMEM((F * CHB,), jnp.float32),
        pltpu.VMEM((F * CHB,), jnp.float32),
        pltpu.VMEM((CHB, F), jnp.float32),
        pltpu.SemaphoreType.DMA,
        pltpu.SemaphoreType.DMA,
    ],
)(_sc_um_body)


BM = 2048


def _tc_body(gmf_ref, um_ref, im_ref, w1_ref, b1_ref, w2_ref, b2_ref,
             wog_ref, woh_ref, bo_ref, out_ref):
    mlp_in = jnp.concatenate([um_ref[...], im_ref[...]], axis=1)
    h = jnp.dot(mlp_in, w1_ref[...], preferred_element_type=jnp.float32)
    h = jnp.maximum(h + b1_ref[...], 0.0)
    h = jnp.dot(h, w2_ref[...], preferred_element_type=jnp.float32)
    h = jnp.maximum(h + b2_ref[...], 0.0)
    s = jnp.dot(gmf_ref[...], wog_ref[...], preferred_element_type=jnp.float32)
    s = s + jnp.dot(h, woh_ref[...], preferred_element_type=jnp.float32)
    out_ref[...] = s + bo_ref[...]


def _tc_mlp(gmf, um, im, W1, b1, W2, b2, Wo, bo):
    grid = (B // BM,)
    full = lambda shape: pl.BlockSpec(shape, lambda i: (0, 0))
    return pl.pallas_call(
        _tc_body,
        grid=grid,
        in_specs=[
            pl.BlockSpec((BM, F), lambda i: (i, 0)),
            pl.BlockSpec((BM, F), lambda i: (i, 0)),
            pl.BlockSpec((BM, F), lambda i: (i, 0)),
            full((2 * F, 2 * F)),
            full((1, 2 * F)),
            full((2 * F, F)),
            full((1, F)),
            full((F, 1)),
            full((F, 1)),
            full((1, 1)),
        ],
        out_specs=pl.BlockSpec((BM, 1), lambda i: (i, 0)),
        out_shape=jax.ShapeDtypeStruct((B, 1), jnp.float32),
    )(gmf, um, im, W1, b1.reshape(1, -1), W2, b2.reshape(1, -1),
      Wo[:F], Wo[F:], bo.reshape(1, 1))


def kernel(users, items, user_gmf, item_gmf, user_mlp, item_mlp,
           W1, b1, W2, b2, Wo, bo):
    users = users.astype(jnp.int32)
    items = items.astype(jnp.int32)
    ig_f = item_gmf.T.reshape(-1)
    im_f = item_mlp.T.reshape(-1)
    igr, im = _sc_items(items, ig_f, im_f)
    ug_planes = _repack1(user_gmf.T)
    gmf = _sc_ug(users, igr, *ug_planes)
    um_planes = _repack1(user_mlp.T)
    um = _sc_um(users, *um_planes)
    if isinstance(gmf, (list, tuple)):
        gmf = gmf[0]
    if isinstance(um, (list, tuple)):
        um = um[0]
    scores = _tc_mlp(gmf, um, im, W1, b1, W2, b2, Wo, bo)
    return scores[:, 0]

# --- scband reference (transcript-rebuilt; emitter-appended) ---
"""Pipeline reference for scband-neu-mf-49469433316103 (READ-ONLY COPY).

The authoritative reference and input builder live on the scoring server;
editing this copy changes nothing except your own understanding.
"""

import jax, jax.numpy as jnp
import numpy as np

N_USERS = 1000000
N_ITEMS = 100000
FACTORS = 16
BATCH = 16384


def setup_inputs(seed: int = 0) -> dict:
    key = jax.random.key(seed)
    ks = jax.random.split(key, 12)
    users = jax.random.randint(ks[0], (BATCH,), 0, N_USERS, dtype=jnp.int64 if jax.config.jax_enable_x64 else jnp.int32)
    items = jax.random.randint(ks[1], (BATCH,), 0, N_ITEMS, dtype=jnp.int64 if jax.config.jax_enable_x64 else jnp.int32)
    f = FACTORS
    user_gmf = jax.random.normal(ks[2], (N_USERS, f), dtype=jnp.float32) * 0.05
    item_gmf = jax.random.normal(ks[3], (N_ITEMS, f), dtype=jnp.float32) * 0.05
    user_mlp = jax.random.normal(ks[4], (N_USERS, f), dtype=jnp.float32) * 0.05
    item_mlp = jax.random.normal(ks[5], (N_ITEMS, f), dtype=jnp.float32) * 0.05
    # Linear(2f -> 2f)
    lim1 = 1.0 / np.sqrt(2 * f)
    W1 = jax.random.uniform(ks[6], (2 * f, 2 * f), minval=-lim1, maxval=lim1, dtype=jnp.float32)
    b1 = jax.random.uniform(ks[7], (2 * f,), minval=-lim1, maxval=lim1, dtype=jnp.float32)
    # Linear(2f -> f)
    W2 = jax.random.uniform(ks[8], (2 * f, f), minval=-lim1, maxval=lim1, dtype=jnp.float32)
    b2 = jax.random.uniform(ks[9], (f,), minval=-lim1, maxval=lim1, dtype=jnp.float32)
    # out Linear(2f -> 1)
    Wo = jax.random.uniform(ks[10], (2 * f, 1), minval=-lim1, maxval=lim1, dtype=jnp.float32)
    bo = jax.random.uniform(ks[11], (1,), minval=-lim1, maxval=lim1, dtype=jnp.float32)
    return {
        "users": users,
        "items": items,
        "user_gmf": user_gmf,
        "item_gmf": item_gmf,
        "user_mlp": user_mlp,
        "item_mlp": item_mlp,
        "W1": W1, "b1": b1,
        "W2": W2, "b2": b2,
        "Wo": Wo, "bo": bo,
    }


def reference(users, items, user_gmf, item_gmf, user_mlp, item_mlp, W1, b1, W2, b2, Wo, bo):
    # GMF branch: elementwise product of gathered embeddings
    gmf = jnp.take(user_gmf, users, axis=0) * jnp.take(item_gmf, items, axis=0)
    # MLP branch
    mlp_in = jnp.concatenate([jnp.take(user_mlp, users, axis=0), jnp.take(item_mlp, items, axis=0)], axis=-1)
    h = jax.nn.relu(mlp_in @ W1 + b1)
    h = jax.nn.relu(h @ W2 + b2)
    # Fusion + output layer
    fused = jnp.concatenate([gmf, h], axis=-1)
    scores = (fused @ Wo + bo).squeeze(-1)
    return scores

if __name__ == "__main__":
    import jax
    _d = setup_inputs()
    print(jax.jit(kernel)(*tuple(_d.values())))

</pallas_src>

<mosaic_0001>
#map = affine_map<(d0, d1) -> (0)>
#map1 = affine_map<(d0, d1) -> (0, 0)>
module attributes {stable_mosaic.version = 14 : i64} {
  func.func @_sc_um_body(%arg0: i32, %arg1: i32, %arg2: memref<16384xi32, #tpu.memory_space<hbm>>, %arg3: memref<2097152xf32, #tpu.memory_space<hbm>>, %arg4: memref<2097152xf32, #tpu.memory_space<hbm>>, %arg5: memref<2097152xf32, #tpu.memory_space<hbm>>, %arg6: memref<2097152xf32, #tpu.memory_space<hbm>>, %arg7: memref<2097152xf32, #tpu.memory_space<hbm>>, %arg8: memref<2097152xf32, #tpu.memory_space<hbm>>, %arg9: memref<2097152xf32, #tpu.memory_space<hbm>>, %arg10: memref<2097152xf32, #tpu.memory_space<hbm>>, %arg11: memref<16384x16xf32, #tpu.memory_space<hbm>>, %arg12: memref<512xi32, #tpu.memory_space<vmem>>, %arg13: memref<512xi32, #tpu.memory_space<vmem>>, %arg14: memref<8192xf32, #tpu.memory_space<vmem>>, %arg15: memref<8192xf32, #tpu.memory_space<vmem>>, %arg16: memref<512x16xf32, #tpu.memory_space<vmem>>, %arg17: memref<!tpu.dma_semaphore, #tpu.memory_space<semaphore_mem>>, %arg18: memref<!tpu.dma_semaphore, #tpu.memory_space<semaphore_mem>>) attributes {dimension_semantics = [#tpu.dimension_semantics<core_parallel>, #tpu.dimension_semantics<subcore_parallel>], iteration_bounds = array<i64: 2, 16>, scalar_prefetch = 0 : i64, scratch_operands = 7 : i64, tpu.core_type = #tpu.core_type<sc_vector_subcore>, window_params = [{transform_indices = #map}, {transform_indices = #map}, {transform_indices = #map}, {transform_indices = #map}, {transform_indices = #map}, {transform_indices = #map}, {transform_indices = #map}, {transform_indices = #map}, {transform_indices = #map}, {transform_indices = #map1}]} {
    %mul3A = arith.constant 2 : i32
    %mul3A_0 = arith.muli %arg1, %mul3A : i32
    %add3A = arith.addi %mul3A_0, %arg0 : i32
    %mul3A_1 = arith.constant 512 : i32
    %mul3A_2 = arith.muli %add3A, %mul3A_1 : i32
    "tpu.region"() ({
      %run_scoped3A = tpu.sem_alloc : memref<!tpu.dma_semaphore, #tpu.memory_space<semaphore_mem>>
      %dma_start3A_209 = tpu.memref_slice %arg2[%mul3A_2] : memref<16384xi32, #tpu.memory_space<hbm>> -> memref<512xi32, #tpu.memory_space<hbm>>
      %dma_start3A_210 = tpu.memref_slice %arg2[%mul3A_2] : memref<16384xi32, #tpu.memory_space<hbm>> -> memref<512xi32, #tpu.memory_space<hbm>>
      tpu.enqueue_dma source(%dma_start3A_210 : memref<512xi32, #tpu.memory_space<hbm>>) target(%arg12 : memref<512xi32, #tpu.memory_space<vmem>>) target_semaphore(%run_scoped3A : memref<!tpu.dma_semaphore, #tpu.memory_space<semaphore_mem>>)
      %dma_wait3A_211 = tpu.memref_slice %arg2[%mul3A_2] : memref<16384xi32, #tpu.memory_space<hbm>> -> memref<512xi32, #tpu.memory_space<hbm>>
      %dma_wait3A_212 = tpu.memref_slice %arg2[%mul3A_2] : memref<16384xi32, #tpu.memory_space<hbm>> -> memref<512xi32, #tpu.memory_space<hbm>>
      tpu.wait_dma2 semaphore(%run_scoped3A : memref<!tpu.dma_semaphore, #tpu.memory_space<semaphore_mem>>) src(%dma_wait3A_212 : memref<512xi32, #tpu.memory_space<hbm>>) dst(%arg12 : memref<512xi32, #tpu.memory_space<vmem>>)
      tpu.yield
    }) : () -> ()
    %iota3A = tpu.iota {dimensions = array<i32: 0>} : vector<16xi32>
    %mul3A_3 = arith.constant 512 : i32
    %mul3A_4 = vector.broadcast %mul3A_3 : i32 to vector<16xi32>
    %mul3A_5 = arith.muli %iota3A, %mul3A_4 : vector<16xi32>
    %scan3A = arith.constant 0 : i32
    %scan3A_6 = arith.constant 0 : i32
    %scan3A_7 = arith.constant 32 : i32
    %scan3A_8 = arith.addi %scan3A_6, %scan3A_7 : i32
    %scan3A_9 = arith.constant 1 : i32
    scf.for %scan3A_209 = %scan3A_6 to %scan3A_8 step %scan3A_9  : i32 {
      %mul3A_210 = arith.constant 16 : i32
      %mul3A_211 = arith.muli %scan3A_209, %mul3A_210 : i32
      %get3A = arith.index_cast %mul3A_211 : i32 to index
      %get3A_212 = tpu.vector_load %arg12[%get3A] {strides = array<i32>} : memref<512xi32, #tpu.memory_space<vmem>>, vector<16xi32>,
      %add3A_213 = arith.constant 1048576 : i32
      %add3A_214 = vector.broadcast %add3A_213 : i32 to vector<16xi32>
      %add3A_215 = arith.addi %get3A_212, %add3A_214 : vector<16xi32>
      %swap3A = arith.index_cast %mul3A_211 : i32 to index
      %swap3A_216 = tpu.vector_load %arg13[%swap3A] {strides = array<i32>} : memref<512xi32, #tpu.memory_space<vmem>>, vector<16xi32>,
      tpu.vector_store %arg13[%swap3A], %add3A_215 {strides = array<i32>} : memref<512xi32, #tpu.memory_space<vmem>>, vector<16xi32>,
    }
    %scan3A_10 = arith.constant 32 : i32
    %dma_start3A = arith.constant 0 : i32
    %dma_start3A_11 = tpu.memref_slice %arg14[%dma_start3A] : memref<8192xf32, #tpu.memory_space<vmem>> -> memref<512xf32, #tpu.memory_space<vmem>>
    %dma_start3A_12 = arith.constant 0 : i32
    %dma_start3A_13 = tpu.memref_slice %arg12[%dma_start3A_12] : memref<512xi32, #tpu.memory_space<vmem>> -> memref<512xi32, #tpu.memory_space<vmem>>
    %dma_start3A_14 = arith.constant 0 : i32
    %dma_start3A_15 = tpu.memref_slice %arg3[%dma_start3A_14] : memref<2097152xf32, #tpu.memory_space<hbm>> -> memref<2097152xf32, #tpu.memory_space<hbm>>
    tpu.enqueue_indirect_dma source(%dma_start3A_15 : memref<2097152xf32, #tpu.memory_space<hbm>>) target(%dma_start3A_11 : memref<512xf32, #tpu.memory_space<vmem>>) offsets(%dma_start3A_13 : memref<512xi32, #tpu.memory_space<vmem>>) semaphore(%arg17 : memref<!tpu.dma_semaphore, #tpu.memory_space<semaphore_mem>>)
    %dma_start3A_16 = arith.constant 4096 : i32
    %dma_start3A_17 = tpu.memref_slice %arg14[%dma_start3A_16] : memref<8192xf32, #tpu.memory_space<vmem>> -> memref<512xf32, #tpu.memory_space<vmem>>
    %dma_start3A_18 = arith.constant 0 : i32
    %dma_start3A_19 = tpu.memref_slice %arg13[%dma_start3A_18] : memref<512xi32, #tpu.memory_space<vmem>> -> memref<512xi32, #tpu.memory_space<vmem>>
    %dma_start3A_20 = arith.constant 0 : i32
    %dma_start3A_21 = tpu.memref_slice %arg3[%dma_start3A_20] : memref<2097152xf32, #tpu.memory_space<hbm>> -> memref<2097152xf32, #tpu.memory_space<hbm>>
    tpu.enqueue_indirect_dma source(%dma_start3A_21 : memref<2097152xf32, #tpu.memory_space<hbm>>) target(%dma_start3A_17 : memref<512xf32, #tpu.memory_space<vmem>>) offsets(%dma_start3A_19 : memref<512xi32, #tpu.memory_space<vmem>>) semaphore(%arg17 : memref<!tpu.dma_semaphore, #tpu.memory_space<semaphore_mem>>)
    %dma_start3A_22 = arith.constant 512 : i32
    %dma_start3A_23 = tpu.memref_slice %arg14[%dma_start3A_22] : memref<8192xf32, #tpu.memory_space<vmem>> -> memref<512xf32, #tpu.memory_space<vmem>>
    %dma_start3A_24 = arith.constant 0 : i32
    %dma_start3A_25 = tpu.memref_slice %arg12[%dma_start3A_24] : memref<512xi32, #tpu.memory_space<vmem>> -> memref<512xi32, #tpu.memory_space<vmem>>
    %dma_start3A_26 = arith.constant 0 : i32
    %dma_start3A_27 = tpu.memref_slice %arg4[%dma_start3A_26] : memref<2097152xf32, #tpu.memory_space<hbm>> -> memref<2097152xf32, #tpu.memory_space<hbm>>
    tpu.enqueue_indirect_dma source(%dma_start3A_27 : memref<2097152xf32, #tpu.memory_space<hbm>>) target(%dma_start3A_23 : memref<512xf32, #tpu.memory_space<vmem>>) offsets(%dma_start3A_25 : memref<512xi32, #tpu.memory_space<vmem>>) semaphore(%arg17 : memref<!tpu.dma_semaphore, #tpu.memory_space<semaphore_mem>>)
    %dma_start3A_28 = arith.constant 4608 : i32
    %dma_start3A_29 = tpu.memref_slice %arg14[%dma_start3A_28] : memref<8192xf32, #tpu.memory_space<vmem>> -> memref<512xf32, #tpu.memory_space<vmem>>
    %dma_start3A_30 = arith.constant 0 : i32
    %dma_start3A_31 = tpu.memref_slice %arg13[%dma_start3A_30] : memref<512xi32, #tpu.memory_space<vmem>> -> memref<512xi32, #tpu.memory_space<vmem>>
    %dma_start3A_32 = arith.constant 0 : i32
    %dma_start3A_33 = tpu.memref_slice %arg4[%dma_start3A_32] : memref<2097152xf32, #tpu.memory_space<hbm>> -> memref<2097152xf32, #tpu.memory_space<hbm>>
    tpu.enqueue_indirect_dma source(%dma_start3A_33 : memref<2097152xf32, #tpu.memory_space<hbm>>) target(%dma_start3A_29 : memref<512xf32, #tpu.memory_space<vmem>>) offsets(%dma_start3A_31 : memref<512xi32, #tpu.memory_space<vmem>>) semaphore(%arg17 : memref<!tpu.dma_semaphore, #tpu.memory_space<semaphore_mem>>)
    %dma_start3A_34 = arith.constant 1024 : i32
    %dma_start3A_35 = tpu.memref_slice %arg14[%dma_start3A_34] : memref<8192xf32, #tpu.memory_space<vmem>> -> memref<512xf32, #tpu.memory_space<vmem>>
    %dma_start3A_36 = arith.constant 0 : i32
    %dma_start3A_37 = tpu.memref_slice %arg12[%dma_start3A_36] : memref<512xi32, #tpu.memory_space<vmem>> -> memref<512xi32, #tpu.memory_space<vmem>>
    %dma_start3A_38 = arith.constant 0 : i32
    %dma_start3A_39 = tpu.memref_slice %arg5[%dma_start3A_38] : memref<2097152xf32, #tpu.memory_space<hbm>> -> memref<2097152xf32, #tpu.memory_space<hbm>>
    tpu.enqueue_indirect_dma source(%dma_start3A_39 : memref<2097152xf32, #tpu.memory_space<hbm>>) target(%dma_start3A_35 : memref<512xf32, #tpu.memory_space<vmem>>) offsets(%dma_start3A_37 : memref<512xi32, #tpu.memory_space<vmem>>) semaphore(%arg17 : memref<!tpu.dma_semaphore, #tpu.memory_space<semaphore_mem>>)
    %dma_start3A_40 = arith.constant 5120 : i32
    %dma_start3A_41 = tpu.memref_slice %arg14[%dma_start3A_40] : memref<8192xf32, #tpu.memory_space<vmem>> -> memref<512xf32, #tpu.memory_space<vmem>>
    %dma_start3A_42 = arith.constant 0 : i32
    %dma_start3A_43 = tpu.memref_slice %arg13[%dma_start3A_42] : memref<512xi32, #tpu.memory_space<vmem>> -> memref<512xi32, #tpu.memory_space<vmem>>
    %dma_start3A_44 = arith.constant 0 : i32
    %dma_start3A_45 = tpu.memref_slice %arg5[%dma_start3A_44] : memref<2097152xf32, #tpu.memory_space<hbm>> -> memref<2097152xf32, #tpu.memory_space<hbm>>
    tpu.enqueue_indirect_dma source(%dma_start3A_45 : memref<2097152xf32, #tpu.memory_space<hbm>>) target(%dma_start3A_41 : memref<512xf32, #tpu.memory_space<vmem>>) offsets(%dma_start3A_43 : memref<512xi32, #tpu.memory_space<vmem>>) semaphore(%arg17 : memref<!tpu.dma_semaphore, #tpu.memory_space<semaphore_mem>>)
    %dma_start3A_46 = arith.constant 1536 : i32
    %dma_start3A_47 = tpu.memref_slice %arg14[%dma_start3A_46] : memref<8192xf32, #tpu.memory_space<vmem>> -> memref<512xf32, #tpu.memory_space<vmem>>
    %dma_start3A_48 = arith.constant 0 : i32
    %dma_start3A_49 = tpu.memref_slice %arg12[%dma_start3A_48] : memref<512xi32, #tpu.memory_space<vmem>> -> memref<512xi32, #tpu.memory_space<vmem>>
    %dma_start3A_50 = arith.constant 0 : i32
    %dma_start3A_51 = tpu.memref_slice %arg6[%dma_start3A_50] : memref<2097152xf32, #tpu.memory_space<hbm>> -> memref<2097152xf32, #tpu.memory_space<hbm>>
    tpu.enqueue_indirect_dma source(%dma_start3A_51 : memref<2097152xf32, #tpu.memory_space<hbm>>) target(%dma_start3A_47 : memref<512xf32, #tpu.memory_space<vmem>>) offsets(%dma_start3A_49 : memref<512xi32, #tpu.memory_space<vmem>>) semaphore(%arg17 : memref<!tpu.dma_semaphore, #tpu.memory_space<semaphore_mem>>)
    %dma_start3A_52 = arith.constant 5632 : i32
    %dma_start3A_53 = tpu.memref_slice %arg14[%dma_start3A_52] : memref<8192xf32, #tpu.memory_space<vmem>> -> memref<512xf32, #tpu.memory_space<vmem>>
    %dma_start3A_54 = arith.constant 0 : i32
    %dma_start3A_55 = tpu.memref_slice %arg13[%dma_start3A_54] : memref<512xi32, #tpu.memory_space<vmem>> -> memref<512xi32, #tpu.memory_space<vmem>>
    %dma_start3A_56 = arith.constant 0 : i32
    %dma_start3A_57 = tpu.memref_slice %arg6[%dma_start3A_56] : memref<2097152xf32, #tpu.memory_space<hbm>> -> memref<2097152xf32, #tpu.memory_space<hbm>>
    tpu.enqueue_indirect_dma source(%dma_start3A_57 : memref<2097152xf32, #tpu.memory_space<hbm>>) target(%dma_start3A_53 : memref<512xf32, #tpu.memory_space<vmem>>) offsets(%dma_start3A_55 : memref<512xi32, #tpu.memory_space<vmem>>) semaphore(%arg17 : memref<!tpu.dma_semaphore, #tpu.memory_space<semaphore_mem>>)
    %dma_start3A_58 = arith.constant 2048 : i32
    %dma_start3A_59 = tpu.memref_slice %arg14[%dma_start3A_58] : memref<8192xf32, #tpu.memory_space<vmem>> -> memref<512xf32, #tpu.memory_space<vmem>>
    %dma_start3A_60 = arith.constant 0 : i32
    %dma_start3A_61 = tpu.memref_slice %arg12[%dma_start3A_60] : memref<512xi32, #tpu.memory_space<vmem>> -> memref<512xi32, #tpu.memory_space<vmem>>
    %dma_start3A_62 = arith.constant 0 : i32
    %dma_start3A_63 = tpu.memref_slice %arg7[%dma_start3A_62] : memref<2097152xf32, #tpu.memory_space<hbm>> -> memref<2097152xf32, #tpu.memory_space<hbm>>
    tpu.enqueue_indirect_dma source(%dma_start3A_63 : memref<2097152xf32, #tpu.memory_space<hbm>>) target(%dma_start3A_59 : memref<512xf32, #tpu.memory_space<vmem>>) offsets(%dma_start3A_61 : memref<512xi32, #tpu.memory_space<vmem>>) semaphore(%arg17 : memref<!tpu.dma_semaphore, #tpu.memory_space<semaphore_mem>>)
    %dma_start3A_64 = arith.constant 6144 : i32
    %dma_start3A_65 = tpu.memref_slice %arg14[%dma_start3A_64] : memref<8192xf32, #tpu.memory_space<vmem>> -> memref<512xf32, #tpu.memory_space<vmem>>
    %dma_start3A_66 = arith.constant 0 : i32
    %dma_start3A_67 = tpu.memref_slice %arg13[%dma_start3A_66] : memref<512xi32, #tpu.memory_space<vmem>> -> memref<512xi32, #tpu.memory_space<vmem>>
    %dma_start3A_68 = arith.constant 0 : i32
    %dma_start3A_69 = tpu.memref_slice %arg7[%dma_start3A_68] : memref<2097152xf32, #tpu.memory_space<hbm>> -> memref<2097152xf32, #tpu.memory_space<hbm>>
    tpu.enqueue_indirect_dma source(%dma_start3A_69 : memref<2097152xf32, #tpu.memory_space<hbm>>) target(%dma_start3A_65 : memref<512xf32, #tpu.memory_space<vmem>>) offsets(%dma_start3A_67 : memref<512xi32, #tpu.memory_space<vmem>>) semaphore(%arg17 : memref<!tpu.dma_semaphore, #tpu.memory_space<semaphore_mem>>)
    %dma_start3A_70 = arith.constant 2560 : i32
    %dma_start3A_71 = tpu.memref_slice %arg14[%dma_start3A_70] : memref<8192xf32, #tpu.memory_space<vmem>> -> memref<512xf32, #tpu.memory_space<vmem>>
    %dma_start3A_72 = arith.constant 0 : i32
    %dma_start3A_73 = tpu.memref_slice %arg12[%dma_start3A_72] : memref<512xi32, #tpu.memory_space<vmem>> -> memref<512xi32, #tpu.memory_space<vmem>>
    %dma_start3A_74 = arith.constant 0 : i32
    %dma_start3A_75 = tpu.memref_slice %arg8[%dma_start3A_74] : memref<2097152xf32, #tpu.memory_space<hbm>> -> memref<2097152xf32, #tpu.memory_space<hbm>>
    tpu.enqueue_indirect_dma source(%dma_start3A_75 : memref<2097152xf32, #tpu.memory_space<hbm>>) target(%dma_start3A_71 : memref<512xf32, #tpu.memory_space<vmem>>) offsets(%dma_start3A_73 : memref<512xi32, #tpu.memory_space<vmem>>) semaphore(%arg17 : memref<!tpu.dma_semaphore, #tpu.memory_space<semaphore_mem>>)
    %dma_start3A_76 = arith.constant 6656 : i32
    %dma_start3A_77 = tpu.memref_slice %arg14[%dma_start3A_76] : memref<8192xf32, #tpu.memory_space<vmem>> -> memref<512xf32, #tpu.memory_space<vmem>>
    %dma_start3A_78 = arith.constant 0 : i32
    %dma_start3A_79 = tpu.memref_slice %arg13[%dma_start3A_78] : memref<512xi32, #tpu.memory_space<vmem>> -> memref<512xi32, #tpu.memory_space<vmem>>
    %dma_start3A_80 = arith.constant 0 : i32
    %dma_start3A_81 = tpu.memref_slice %arg8[%dma_start3A_80] : memref<2097152xf32, #tpu.memory_space<hbm>> -> memref<2097152xf32, #tpu.memory_space<hbm>>
    tpu.enqueue_indirect_dma source(%dma_start3A_81 : memref<2097152xf32, #tpu.memory_space<hbm>>) target(%dma_start3A_77 : memref<512xf32, #tpu.memory_space<vmem>>) offsets(%dma_start3A_79 : memref<512xi32, #tpu.memory_space<vmem>>) semaphore(%arg17 : memref<!tpu.dma_semaphore, #tpu.memory_space<semaphore_mem>>)
    %dma_start3A_82 = arith.constant 3072 : i32
    %dma_start3A_83 = tpu.memref_slice %arg14[%dma_start3A_82] : memref<8192xf32, #tpu.memory_space<vmem>> -> memref<512xf32, #tpu.memory_space<vmem>>
    %dma_start3A_84 = arith.constant 0 : i32
    %dma_start3A_85 = tpu.memref_slice %arg12[%dma_start3A_84] : memref<512xi32, #tpu.memory_space<vmem>> -> memref<512xi32, #tpu.memory_space<vmem>>
    %dma_start3A_86 = arith.constant 0 : i32
    %dma_start3A_87 = tpu.memref_slice %arg9[%dma_start3A_86] : memref<2097152xf32, #tpu.memory_space<hbm>> -> memref<2097152xf32, #tpu.memory_space<hbm>>
    tpu.enqueue_indirect_dma source(%dma_start3A_87 : memref<2097152xf32, #tpu.memory_space<hbm>>) target(%dma_start3A_83 : memref<512xf32, #tpu.memory_space<vmem>>) offsets(%dma_start3A_85 : memref<512xi32, #tpu.memory_space<vmem>>) semaphore(%arg17 : memref<!tpu.dma_semaphore, #tpu.memory_space<semaphore_mem>>)
    %dma_start3A_88 = arith.constant 7168 : i32
    %dma_start3A_89 = tpu.memref_slice %arg14[%dma_start3A_88] : memref<8192xf32, #tpu.memory_space<vmem>> -> memref<512xf32, #tpu.memory_space<vmem>>
    %dma_start3A_90 = arith.constant 0 : i32
    %dma_start3A_91 = tpu.memref_slice %arg13[%dma_start3A_90] : memref<512xi32, #tpu.memory_space<vmem>> -> memref<512xi32, #tpu.memory_space<vmem>>
    %dma_start3A_92 = arith.constant 0 : i32
    %dma_start3A_93 = tpu.memref_slice %arg9[%dma_start3A_92] : memref<2097152xf32, #tpu.memory_space<hbm>> -> memref<2097152xf32, #tpu.memory_space<hbm>>
    tpu.enqueue_indirect_dma source(%dma_start3A_93 : memref<2097152xf32, #tpu.memory_space<hbm>>) target(%dma_start3A_89 : memref<512xf32, #tpu.memory_space<vmem>>) offsets(%dma_start3A_91 : memref<512xi32, #tpu.memory_space<vmem>>) semaphore(%arg17 : memref<!tpu.dma_semaphore, #tpu.memory_space<semaphore_mem>>)
    %dma_start3A_94 = arith.constant 3584 : i32
    %dma_start3A_95 = tpu.memref_slice %arg14[%dma_start3A_94] : memref<8192xf32, #tpu.memory_space<vmem>> -> memref<512xf32, #tpu.memory_space<vmem>>
    %dma_start3A_96 = arith.constant 0 : i32
    %dma_start3A_97 = tpu.memref_slice %arg12[%dma_start3A_96] : memref<512xi32, #tpu.memory_space<vmem>> -> memref<512xi32, #tpu.memory_space<vmem>>
    %dma_start3A_98 = arith.constant 0 : i32
    %dma_start3A_99 = tpu.memref_slice %arg10[%dma_start3A_98] : memref<2097152xf32, #tpu.memory_space<hbm>> -> memref<2097152xf32, #tpu.memory_space<hbm>>
    tpu.enqueue_indirect_dma source(%dma_start3A_99 : memref<2097152xf32, #tpu.memory_space<hbm>>) target(%dma_start3A_95 : memref<512xf32, #tpu.memory_space<vmem>>) offsets(%dma_start3A_97 : memref<512xi32, #tpu.memory_space<vmem>>) semaphore(%arg17 : memref<!tpu.dma_semaphore, #tpu.memory_space<semaphore_mem>>)
    %dma_start3A_100 = arith.constant 7680 : i32
    %dma_start3A_101 = tpu.memref_slice %arg14[%dma_start3A_100] : memref<8192xf32, #tpu.memory_space<vmem>> -> memref<512xf32, #tpu.memory_space<vmem>>
    %dma_start3A_102 = arith.constant 0 : i32
    %dma_start3A_103 = tpu.memref_slice %arg13[%dma_start3A_102] : memref<512xi32, #tpu.memory_space<vmem>> -> memref<512xi32, #tpu.memory_space<vmem>>
    %dma_start3A_104 = arith.constant 0 : i32
    %dma_start3A_105 = tpu.memref_slice %arg10[%dma_start3A_104] : memref<2097152xf32, #tpu.memory_space<hbm>> -> memref<2097152xf32, #tpu.memory_space<hbm>>
    tpu.enqueue_indirect_dma source(%dma_start3A_105 : memref<2097152xf32, #tpu.memory_space<hbm>>) target(%dma_start3A_101 : memref<512xf32, #tpu.memory_space<vmem>>) offsets(%dma_start3A_103 : memref<512xi32, #tpu.memory_space<vmem>>) semaphore(%arg17 : memref<!tpu.dma_semaphore, #tpu.memory_space<semaphore_mem>>)
    %dma_wait3A = arith.constant 0 : i32
    %dma_wait3A_106 = tpu.memref_slice %arg14[%dma_wait3A] : memref<8192xf32, #tpu.memory_space<vmem>> -> memref<512xf32, #tpu.memory_space<vmem>>
    %dma_wait3A_107 = arith.constant 0 : i32
    %dma_wait3A_108 = tpu.memref_slice %arg12[%dma_wait3A_107] : memref<512xi32, #tpu.memory_space<vmem>> -> memref<512xi32, #tpu.memory_space<vmem>>
    %dma_wait3A_109 = arith.constant 0 : i32
    %dma_wait3A_110 = tpu.memref_slice %arg3[%dma_wait3A_109] : memref<2097152xf32, #tpu.memory_space<hbm>> -> memref<2097152xf32, #tpu.memory_space<hbm>>
    tpu.wait_indirect_dma semaphore(%arg17 : memref<!tpu.dma_semaphore, #tpu.memory_space<semaphore_mem>>) src(%dma_wait3A_110 : memref<2097152xf32, #tpu.memory_space<hbm>>) dst(%dma_wait3A_106 : memref<512xf32, #tpu.memory_space<vmem>>)
    %dma_wait3A_111 = arith.constant 4096 : i32
    %dma_wait3A_112 = tpu.memref_slice %arg14[%dma_wait3A_111] : memref<8192xf32, #tpu.memory_space<vmem>> -> memref<512xf32, #tpu.memory_space<vmem>>
    %dma_wait3A_113 = arith.constant 0 : i32
    %dma_wait3A_114 = tpu.memref_slice %arg13[%dma_wait3A_113] : memref<512xi32, #tpu.memory_space<vmem>> -> memref<512xi32, #tpu.memory_space<vmem>>
    %dma_wait3A_115 = arith.constant 0 : i32
    %dma_wait3A_116 = tpu.memref_slice %arg3[%dma_wait3A_115] : memref<2097152xf32, #tpu.memory_space<hbm>> -> memref<2097152xf32, #tpu.memory_space<hbm>>
    tpu.wait_indirect_dma semaphore(%arg17 : memref<!tpu.dma_semaphore, #tpu.memory_space<semaphore_mem>>) src(%dma_wait3A_116 : memref<2097152xf32, #tpu.memory_space<hbm>>) dst(%dma_wait3A_112 : memref<512xf32, #tpu.memory_space<vmem>>)
    %dma_wait3A_117 = arith.constant 512 : i32
    %dma_wait3A_118 = tpu.memref_slice %arg14[%dma_wait3A_117] : memref<8192xf32, #tpu.memory_space<vmem>> -> memref<512xf32, #tpu.memory_space<vmem>>
    %dma_wait3A_119 = arith.constant 0 : i32
    %dma_wait3A_120 = tpu.memref_slice %arg12[%dma_wait3A_119] : memref<512xi32, #tpu.memory_space<vmem>> -> memref<512xi32, #tpu.memory_space<vmem>>
    %dma_wait3A_121 = arith.constant 0 : i32
    %dma_wait3A_122 = tpu.memref_slice %arg4[%dma_wait3A_121] : memref<2097152xf32, #tpu.memory_space<hbm>> -> memref<2097152xf32, #tpu.memory_space<hbm>>
    tpu.wait_indirect_dma semaphore(%arg17 : memref<!tpu.dma_semaphore, #tpu.memory_space<semaphore_mem>>) src(%dma_wait3A_122 : memref<2097152xf32, #tpu.memory_space<hbm>>) dst(%dma_wait3A_118 : memref<512xf32, #tpu.memory_space<vmem>>)
    %dma_wait3A_123 = arith.constant 4608 : i32
    %dma_wait3A_124 = tpu.memref_slice %arg14[%dma_wait3A_123] : memref<8192xf32, #tpu.memory_space<vmem>> -> memref<512xf32, #tpu.memory_space<vmem>>
    %dma_wait3A_125 = arith.constant 0 : i32
    %dma_wait3A_126 = tpu.memref_slice %arg13[%dma_wait3A_125] : memref<512xi32, #tpu.memory_space<vmem>> -> memref<512xi32, #tpu.memory_space<vmem>>
    %dma_wait3A_127 = arith.constant 0 : i32
    %dma_wait3A_128 = tpu.memref_slice %arg4[%dma_wait3A_127] : memref<2097152xf32, #tpu.memory_space<hbm>> -> memref<2097152xf32, #tpu.memory_space<hbm>>
    tpu.wait_indirect_dma semaphore(%arg17 : memref<!tpu.dma_semaphore, #tpu.memory_space<semaphore_mem>>) src(%dma_wait3A_128 : memref<2097152xf32, #tpu.memory_space<hbm>>) dst(%dma_wait3A_124 : memref<512xf32, #tpu.memory_space<vmem>>)
    %dma_wait3A_129 = arith.constant 1024 : i32
    %dma_wait3A_130 = tpu.memref_slice %arg14[%dma_wait3A_129] : memref<8192xf32, #tpu.memory_space<vmem>> -> memref<512xf32, #tpu.memory_space<vmem>>
    %dma_wait3A_131 = arith.constant 0 : i32
    %dma_wait3A_132 = tpu.memref_slice %arg12[%dma_wait3A_131] : memref<512xi32, #tpu.memory_space<vmem>> -> memref<512xi32, #tpu.memory_space<vmem>>
    %dma_wait3A_133 = arith.constant 0 : i32
    %dma_wait3A_134 = tpu.memref_slice %arg5[%dma_wait3A_133] : memref<2097152xf32, #tpu.memory_space<hbm>> -> memref<2097152xf32, #tpu.memory_space<hbm>>
    tpu.wait_indirect_dma semaphore(%arg17 : memref<!tpu.dma_semaphore, #tpu.memory_space<semaphore_mem>>) src(%dma_wait3A_134 : memref<2097152xf32, #tpu.memory_space<hbm>>) dst(%dma_wait3A_130 : memref<512xf32, #tpu.memory_space<vmem>>)
    %dma_wait3A_135 = arith.constant 5120 : i32
    %dma_wait3A_136 = tpu.memref_slice %arg14[%dma_wait3A_135] : memref<8192xf32, #tpu.memory_space<vmem>> -> memref<512xf32, #tpu.memory_space<vmem>>
    %dma_wait3A_137 = arith.constant 0 : i32
    %dma_wait3A_138 = tpu.memref_slice %arg13[%dma_wait3A_137] : memref<512xi32, #tpu.memory_space<vmem>> -> memref<512xi32, #tpu.memory_space<vmem>>
    %dma_wait3A_139 = arith.constant 0 : i32
    %dma_wait3A_140 = tpu.memref_slice %arg5[%dma_wait3A_139] : memref<2097152xf32, #tpu.memory_space<hbm>> -> memref<2097152xf32, #tpu.memory_space<hbm>>
    tpu.wait_indirect_dma semaphore(%arg17 : memref<!tpu.dma_semaphore, #tpu.memory_space<semaphore_mem>>) src(%dma_wait3A_140 : memref<2097152xf32, #tpu.memory_space<hbm>>) dst(%dma_wait3A_136 : memref<512xf32, #tpu.memory_space<vmem>>)
    %dma_wait3A_141 = arith.constant 1536 : i32
    %dma_wait3A_142 = tpu.memref_slice %arg14[%dma_wait3A_141] : memref<8192xf32, #tpu.memory_space<vmem>> -> memref<512xf32, #tpu.memory_space<vmem>>
    %dma_wait3A_143 = arith.constant 0 : i32
    %dma_wait3A_144 = tpu.memref_slice %arg12[%dma_wait3A_143] : memref<512xi32, #tpu.memory_space<vmem>> -> memref<512xi32, #tpu.memory_space<vmem>>
    %dma_wait3A_145 = arith.constant 0 : i32
    %dma_wait3A_146 = tpu.memref_slice %arg6[%dma_wait3A_145] : memref<2097152xf32, #tpu.memory_space<hbm>> -> memref<2097152xf32, #tpu.memory_space<hbm>>
    tpu.wait_indirect_dma semaphore(%arg17 : memref<!tpu.dma_semaphore, #tpu.memory_space<semaphore_mem>>) src(%dma_wait3A_146 : memref<2097152xf32, #tpu.memory_space<hbm>>) dst(%dma_wait3A_142 : memref<512xf32, #tpu.memory_space<vmem>>)
    %dma_wait3A_147 = arith.constant 5632 : i32
    %dma_wait3A_148 = tpu.memref_slice %arg14[%dma_wait3A_147] : memref<8192xf32, #tpu.memory_space<vmem>> -> memref<512xf32, #tpu.memory_space<vmem>>
    %dma_wait3A_149 = arith.constant 0 : i32
    %dma_wait3A_150 = tpu.memref_slice %arg13[%dma_wait3A_149] : memref<512xi32, #tpu.memory_space<vmem>> -> memref<512xi32, #tpu.memory_space<vmem>>
    %dma_wait3A_151 = arith.constant 0 : i32
    %dma_wait3A_152 = tpu.memref_slice %arg6[%dma_wait3A_151] : memref<2097152xf32, #tpu.memory_space<hbm>> -> memref<2097152xf32, #tpu.memory_space<hbm>>
    tpu.wait_indirect_dma semaphore(%arg17 : memref<!tpu.dma_semaphore, #tpu.memory_space<semaphore_mem>>) src(%dma_wait3A_152 : memref<2097152xf32, #tpu.memory_space<hbm>>) dst(%dma_wait3A_148 : memref<512xf32, #tpu.memory_space<vmem>>)
    %dma_wait3A_153 = arith.constant 2048 : i32
    %dma_wait3A_154 = tpu.memref_slice %arg14[%dma_wait3A_153] : memref<8192xf32, #tpu.memory_space<vmem>> -> memref<512xf32, #tpu.memory_space<vmem>>
    %dma_wait3A_155 = arith.constant 0 : i32
    %dma_wait3A_156 = tpu.memref_slice %arg12[%dma_wait3A_155] : memref<512xi32, #tpu.memory_space<vmem>> -> memref<512xi32, #tpu.memory_space<vmem>>
    %dma_wait3A_157 = arith.constant 0 : i32
    %dma_wait3A_158 = tpu.memref_slice %arg7[%dma_wait3A_157] : memref<2097152xf32, #tpu.memory_space<hbm>> -> memref<2097152xf32, #tpu.memory_space<hbm>>
    tpu.wait_indirect_dma semaphore(%arg17 : memref<!tpu.dma_semaphore, #tpu.memory_space<semaphore_mem>>) src(%dma_wait3A_158 : memref<2097152xf32, #tpu.memory_space<hbm>>) dst(%dma_wait3A_154 : memref<512xf32, #tpu.memory_space<vmem>>)
    %dma_wait3A_159 = arith.constant 6144 : i32
    %dma_wait3A_160 = tpu.memref_slice %arg14[%dma_wait3A_159] : memref<8192xf32, #tpu.memory_space<vmem>> -> memref<512xf32, #tpu.memory_space<vmem>>
    %dma_wait3A_161 = arith.constant 0 : i32
    %dma_wait3A_162 = tpu.memref_slice %arg13[%dma_wait3A_161] : memref<512xi32, #tpu.memory_space<vmem>> -> memref<512xi32, #tpu.memory_space<vmem>>
    %dma_wait3A_163 = arith.constant 0 : i32
    %dma_wait3A_164 = tpu.memref_slice %arg7[%dma_wait3A_163] : memref<2097152xf32, #tpu.memory_space<hbm>> -> memref<2097152xf32, #tpu.memory_space<hbm>>
    tpu.wait_indirect_dma semaphore(%arg17 : memref<!tpu.dma_semaphore, #tpu.memory_space<semaphore_mem>>) src(%dma_wait3A_164 : memref<2097152xf32, #tpu.memory_space<hbm>>) dst(%dma_wait3A_160 : memref<512xf32, #tpu.memory_space<vmem>>)
    %dma_wait3A_165 = arith.constant 2560 : i32
    %dma_wait3A_166 = tpu.memref_slice %arg14[%dma_wait3A_165] : memref<8192xf32, #tpu.memory_space<vmem>> -> memref<512xf32, #tpu.memory_space<vmem>>
    %dma_wait3A_167 = arith.constant 0 : i32
    %dma_wait3A_168 = tpu.memref_slice %arg12[%dma_wait3A_167] : memref<512xi32, #tpu.memory_space<vmem>> -> memref<512xi32, #tpu.memory_space<vmem>>
    %dma_wait3A_169 = arith.constant 0 : i32
    %dma_wait3A_170 = tpu.memref_slice %arg8[%dma_wait3A_169] : memref<2097152xf32, #tpu.memory_space<hbm>> -> memref<2097152xf32, #tpu.memory_space<hbm>>
    tpu.wait_indirect_dma semaphore(%arg17 : memref<!tpu.dma_semaphore, #tpu.memory_space<semaphore_mem>>) src(%dma_wait3A_170 : memref<2097152xf32, #tpu.memory_space<hbm>>) dst(%dma_wait3A_166 : memref<512xf32, #tpu.memory_space<vmem>>)
    %dma_wait3A_171 = arith.constant 6656 : i32
    %dma_wait3A_172 = tpu.memref_slice %arg14[%dma_wait3A_171] : memref<8192xf32, #tpu.memory_space<vmem>> -> memref<512xf32, #tpu.memory_space<vmem>>
    %dma_wait3A_173 = arith.constant 0 : i32
    %dma_wait3A_174 = tpu.memref_slice %arg13[%dma_wait3A_173] : memref<512xi32, #tpu.memory_space<vmem>> -> memref<512xi32, #tpu.memory_space<vmem>>
    %dma_wait3A_175 = arith.constant 0 : i32
    %dma_wait3A_176 = tpu.memref_slice %arg8[%dma_wait3A_175] : memref<2097152xf32, #tpu.memory_space<hbm>> -> memref<2097152xf32, #tpu.memory_space<hbm>>
    tpu.wait_indirect_dma semaphore(%arg17 : memref<!tpu.dma_semaphore, #tpu.memory_space<semaphore_mem>>) src(%dma_wait3A_176 : memref<2097152xf32, #tpu.memory_space<hbm>>) dst(%dma_wait3A_172 : memref<512xf32, #tpu.memory_space<vmem>>)
    %dma_wait3A_177 = arith.constant 3072 : i32
    %dma_wait3A_178 = tpu.memref_slice %arg14[%dma_wait3A_177] : memref<8192xf32, #tpu.memory_space<vmem>> -> memref<512xf32, #tpu.memory_space<vmem>>
    %dma_wait3A_179 = arith.constant 0 : i32
    %dma_wait3A_180 = tpu.memref_slice %arg12[%dma_wait3A_179] : memref<512xi32, #tpu.memory_space<vmem>> -> memref<512xi32, #tpu.memory_space<vmem>>
    %dma_wait3A_181 = arith.constant 0 : i32
    %dma_wait3A_182 = tpu.memref_slice %arg9[%dma_wait3A_181] : memref<2097152xf32, #tpu.memory_space<hbm>> -> memref<2097152xf32, #tpu.memory_space<hbm>>
    tpu.wait_indirect_dma semaphore(%arg17 : memref<!tpu.dma_semaphore, #tpu.memory_space<semaphore_mem>>) src(%dma_wait3A_182 : memref<2097152xf32, #tpu.memory_space<hbm>>) dst(%dma_wait3A_178 : memref<512xf32, #tpu.memory_space<vmem>>)
    %dma_wait3A_183 = arith.constant 7168 : i32
    %dma_wait3A_184 = tpu.memref_slice %arg14[%dma_wait3A_183] : memref<8192xf32, #tpu.memory_space<vmem>> -> memref<512xf32, #tpu.memory_space<vmem>>
    %dma_wait3A_185 = arith.constant 0 : i32
    %dma_wait3A_186 = tpu.memref_slice %arg13[%dma_wait3A_185] : memref<512xi32, #tpu.memory_space<vmem>> -> memref<512xi32, #tpu.memory_space<vmem>>
    %dma_wait3A_187 = arith.constant 0 : i32
    %dma_wait3A_188 = tpu.memref_slice %arg9[%dma_wait3A_187] : memref<2097152xf32, #tpu.memory_space<hbm>> -> memref<2097152xf32, #tpu.memory_space<hbm>>
    tpu.wait_indirect_dma semaphore(%arg17 : memref<!tpu.dma_semaphore, #tpu.memory_space<semaphore_mem>>) src(%dma_wait3A_188 : memref<2097152xf32, #tpu.memory_space<hbm>>) dst(%dma_wait3A_184 : memref<512xf32, #tpu.memory_space<vmem>>)
    %dma_wait3A_189 = arith.constant 3584 : i32
    %dma_wait3A_190 = tpu.memref_slice %arg14[%dma_wait3A_189] : memref<8192xf32, #tpu.memory_space<vmem>> -> memref<512xf32, #tpu.memory_space<vmem>>
    %dma_wait3A_191 = arith.constant 0 : i32
    %dma_wait3A_192 = tpu.memref_slice %arg12[%dma_wait3A_191] : memref<512xi32, #tpu.memory_space<vmem>> -> memref<512xi32, #tpu.memory_space<vmem>>
    %dma_wait3A_193 = arith.constant 0 : i32
    %dma_wait3A_194 = tpu.memref_slice %arg10[%dma_wait3A_193] : memref<2097152xf32, #tpu.memory_space<hbm>> -> memref<2097152xf32, #tpu.memory_space<hbm>>
    tpu.wait_indirect_dma semaphore(%arg17 : memref<!tpu.dma_semaphore, #tpu.memory_space<semaphore_mem>>) src(%dma_wait3A_194 : memref<2097152xf32, #tpu.memory_space<hbm>>) dst(%dma_wait3A_190 : memref<512xf32, #tpu.memory_space<vmem>>)
    %dma_wait3A_195 = arith.constant 7680 : i32
    %dma_wait3A_196 = tpu.memref_slice %arg14[%dma_wait3A_195] : memref<8192xf32, #tpu.memory_space<vmem>> -> memref<512xf32, #tpu.memory_space<vmem>>
    %dma_wait3A_197 = arith.constant 0 : i32
    %dma_wait3A_198 = tpu.memref_slice %arg13[%dma_wait3A_197] : memref<512xi32, #tpu.memory_space<vmem>> -> memref<512xi32, #tpu.memory_space<vmem>>
    %dma_wait3A_199 = arith.constant 0 : i32
    %dma_wait3A_200 = tpu.memref_slice %arg10[%dma_wait3A_199] : memref<2097152xf32, #tpu.memory_space<hbm>> -> memref<2097152xf32, #tpu.memory_space<hbm>>
    tpu.wait_indirect_dma semaphore(%arg17 : memref<!tpu.dma_semaphore, #tpu.memory_space<semaphore_mem>>) src(%dma_wait3A_200 : memref<2097152xf32, #tpu.memory_space<hbm>>) dst(%dma_wait3A_196 : memref<512xf32, #tpu.memory_space<vmem>>)
    %scan3A_201 = arith.constant 0 : i32
    %scan3A_202 = arith.constant 0 : i32
    %scan3A_203 = arith.constant 512 : i32
    %scan3A_204 = arith.addi %scan3A_202, %scan3A_203 : i32
    %scan3A_205 = arith.constant 1 : i32
    scf.for %scan3A_209 = %scan3A_202 to %scan3A_204 step %scan3A_205  : i32 {
      %add3A_210 = vector.broadcast %scan3A_209 : i32 to vector<16xi32>
      %add3A_211 = arith.addi %mul3A_5, %add3A_210 : vector<16xi32>
      %gather3A = tpu.vector_load_idx %arg14[%add3A_211] : memref<8192xf32, #tpu.memory_space<vmem>>[vector<16xi32>], vector<16xf32>,
      %swap3A = arith.index_cast %scan3A_209 : i32 to index
      %swap3A_212 = arith.constant 0 : index
      %swap3A_213 = tpu.vector_load %arg16[%swap3A, %swap3A_212] {strides = array<i32>} : memref<512x16xf32, #tpu.memory_space<vmem>>, vector<16xf32>,
      tpu.vector_store %arg16[%swap3A, %swap3A_212], %gather3A {strides = array<i32>} : memref<512x16xf32, #tpu.memory_space<vmem>>, vector<16xf32>,
    }
    %scan3A_206 = arith.constant 512 : i32
    %add3A_207 = arith.constant 0 : i32
    %add3A_208 = arith.addi %mul3A_2, %add3A_207 : i32
    "tpu.region"() ({
      %run_scoped3A = tpu.sem_alloc : memref<!tpu.dma_semaphore, #tpu.memory_space<semaphore_mem>>
      %dma_start3A_209 = arith.constant 0 : i32
      %dma_start3A_210 = tpu.memref_slice %arg11[%add3A_208, %dma_start3A_209] : memref<16384x16xf32, #tpu.memory_space<hbm>> -> memref<512x16xf32, #tpu.memory_space<hbm>>
      %dma_start3A_211 = arith.constant 0 : i32
      %dma_start3A_212 = tpu.memref_slice %arg11[%add3A_208, %dma_start3A_211] : memref<16384x16xf32, #tpu.memory_space<hbm>> -> memref<512x16xf32, #tpu.memory_space<hbm>>
      tpu.enqueue_dma source(%arg16 : memref<512x16xf32, #tpu.memory_space<vmem>>) target(%dma_start3A_212 : memref<512x16xf32, #tpu.memory_space<hbm>>) target_semaphore(%run_scoped3A : memref<!tpu.dma_semaphore, #tpu.memory_space<semaphore_mem>>)
      %dma_wait3A_213 = arith.constant 0 : i32
      %dma_wait3A_214 = tpu.memref_slice %arg11[%add3A_208, %dma_wait3A_213] : memref<16384x16xf32, #tpu.memory_space<hbm>> -> memref<512x16xf32, #tpu.memory_space<hbm>>
      %dma_wait3A_215 = arith.constant 0 : i32
      %dma_wait3A_216 = tpu.memref_slice %arg11[%add3A_208, %dma_wait3A_215] : memref<16384x16xf32, #tpu.memory_space<hbm>> -> memref<512x16xf32, #tpu.memory_space<hbm>>
      tpu.wait_dma2 semaphore(%run_scoped3A : memref<!tpu.dma_semaphore, #tpu.memory_space<semaphore_mem>>) src(%arg16 : memref<512x16xf32, #tpu.memory_space<vmem>>) dst(%dma_wait3A_216 : memref<512x16xf32, #tpu.memory_space<hbm>>)
      tpu.yield
    }) : () -> ()
    return
  }
}

#map = affine_map<(d0, d1) -> (0)>
#map1 = affine_map<(d0, d1) -> (0, 0)>
module attributes {stable_mosaic.version = 14 : i64} {
  func.func @_sc_items_body(%arg0: i32, %arg1: i32, %arg2: memref<16384xi32, #tpu.memory_space<hbm>>, %arg3: memref<1600000xf32, #tpu.memory_space<hbm>>, %arg4: memref<1600000xf32, #tpu.memory_space<hbm>>, %arg5: memref<16384x16xf32, #tpu.memory_space<hbm>>, %arg6: memref<16384x16xf32, #tpu.memory_space<hbm>>, %arg7: memref<512xi32, #tpu.memory_space<vmem>>, %arg8: memref<8192xi32, #tpu.memory_space<vmem>>, %arg9: memref<8192xf32, #tpu.memory_space<vmem>>, %arg10: memref<8192xf32, #tpu.memory_space<vmem>>, %arg11: memref<512x16xf32, #tpu.memory_space<vmem>>, %arg12: memref<512x16xf32, #tpu.memory_space<vmem>>, %arg13: memref<!tpu.dma_semaphore, #tpu.memory_space<semaphore_mem>>) attributes {dimension_semantics = [#tpu.dimension_semantics<core_parallel>, #tpu.dimension_semantics<subcore_parallel>], iteration_bounds = array<i64: 2, 16>, scalar_prefetch = 0 : i64, scratch_operands = 7 : i64, tpu.core_type = #tpu.core_type<sc_vector_subcore>, window_params = [{transform_indices = #map}, {transform_indices = #map}, {transform_indices = #map}, {transform_indices = #map1}, {transform_indices = #map1}]} {
    %mul3A = arith.constant 2 : i32
    %mul3A_0 = arith.muli %arg1, %mul3A : i32
    %add3A = arith.addi %mul3A_0, %arg0 : i32
    %mul3A_1 = arith.constant 512 : i32
    %mul3A_2 = arith.muli %add3A, %mul3A_1 : i32
    "tpu.region"() ({
      %run_scoped3A = tpu.sem_alloc : memref<!tpu.dma_semaphore, #tpu.memory_space<semaphore_mem>>
      %dma_start3A_27 = tpu.memref_slice %arg2[%mul3A_2] : memref<16384xi32, #tpu.memory_space<hbm>> -> memref<512xi32, #tpu.memory_space<hbm>>
      %dma_start3A_28 = tpu.memref_slice %arg2[%mul3A_2] : memref<16384xi32, #tpu.memory_space<hbm>> -> memref<512xi32, #tpu.memory_space<hbm>>
      tpu.enqueue_dma source(%dma_start3A_28 : memref<512xi32, #tpu.memory_space<hbm>>) target(%arg7 : memref<512xi32, #tpu.memory_space<vmem>>) target_semaphore(%run_scoped3A : memref<!tpu.dma_semaphore, #tpu.memory_space<semaphore_mem>>)
      %dma_wait3A_29 = tpu.memref_slice %arg2[%mul3A_2] : memref<16384xi32, #tpu.memory_space<hbm>> -> memref<512xi32, #tpu.memory_space<hbm>>
      %dma_wait3A_30 = tpu.memref_slice %arg2[%mul3A_2] : memref<16384xi32, #tpu.memory_space<hbm>> -> memref<512xi32, #tpu.memory_space<hbm>>
      tpu.wait_dma2 semaphore(%run_scoped3A : memref<!tpu.dma_semaphore, #tpu.memory_space<semaphore_mem>>) src(%dma_wait3A_30 : memref<512xi32, #tpu.memory_space<hbm>>) dst(%arg7 : memref<512xi32, #tpu.memory_space<vmem>>)
      tpu.yield
    }) : () -> ()
    %iota3A = tpu.iota {dimensions = array<i32: 0>} : vector<16xi32>
    %mul3A_3 = arith.constant 512 : i32
    %mul3A_4 = vector.broadcast %mul3A_3 : i32 to vector<16xi32>
    %mul3A_5 = arith.muli %iota3A, %mul3A_4 : vector<16xi32>
    %scan3A = arith.constant 0 : i32
    %scan3A_6 = arith.constant 0 : i32
    %scan3A_7 = arith.constant 32 : i32
    %scan3A_8 = arith.addi %scan3A_6, %scan3A_7 : i32
    %scan3A_9 = arith.constant 1 : i32
    scf.for %scan3A_27 = %scan3A_6 to %scan3A_8 step %scan3A_9  : i32 {
      %mul3A_28 = arith.constant 16 : i32
      %mul3A_29 = arith.muli %scan3A_27, %mul3A_28 : i32
      %add3A_30 = arith.constant 0 : i32
      %add3A_31 = arith.addi %add3A_30, %mul3A_29 : i32
      %get3A = arith.index_cast %add3A_31 : i32 to index
      %get3A_32 = tpu.vector_load %arg7[%get3A] {strides = array<i32>} : memref<512xi32, #tpu.memory_space<vmem>>, vector<16xi32>,
      %add3A_33 = arith.constant 0 : i32
      %add3A_34 = vector.broadcast %add3A_33 : i32 to vector<16xi32>
      %add3A_35 = arith.addi %get3A_32, %add3A_34 : vector<16xi32>
      %mul3A_36 = arith.constant 16 : i32
      %mul3A_37 = arith.muli %scan3A_27, %mul3A_36 : i32
      %add3A_38 = arith.constant 0 : i32
      %add3A_39 = arith.addi %add3A_38, %mul3A_37 : i32
      %swap3A = arith.index_cast %add3A_39 : i32 to index
      %swap3A_40 = tpu.vector_load %arg8[%swap3A] {strides = array<i32>} : memref<8192xi32, #tpu.memory_space<vmem>>, vector<16xi32>,
      tpu.vector_store %arg8[%swap3A], %add3A_35 {strides = array<i32>} : memref<8192xi32, #tpu.memory_space<vmem>>, vector<16xi32>,
      %add3A_41 = arith.constant 100000 : i32
      %add3A_42 = vector.broadcast %add3A_41 : i32 to vector<16xi32>
      %add3A_43 = arith.addi %get3A_32, %add3A_42 : vector<16xi32>
      %mul3A_44 = arith.constant 16 : i32
      %mul3A_45 = arith.muli %scan3A_27, %mul3A_44 : i32
      %add3A_46 = arith.constant 512 : i32
      %add3A_47 = arith.addi %add3A_46, %mul3A_45 : i32
      %swap3A_48 = arith.index_cast %add3A_47 : i32 to index
      %swap3A_49 = tpu.vector_load %arg8[%swap3A_48] {strides = array<i32>} : memref<8192xi32, #tpu.memory_space<vmem>>, vector<16xi32>,
      tpu.vector_store %arg8[%swap3A_48], %add3A_43 {strides = array<i32>} : memref<8192xi32, #tpu.memory_space<vmem>>, vector<16xi32>,
      %add3A_50 = arith.constant 200000 : i32
      %add3A_51 = vector.broadcast %add3A_50 : i32 to vector<16xi32>
      %add3A_52 = arith.addi %get3A_32, %add3A_51 : vector<16xi32>
      %mul3A_53 = arith.constant 16 : i32
      %mul3A_54 = arith.muli %scan3A_27, %mul3A_53 : i32
      %add3A_55 = arith.constant 1024 : i32
      %add3A_56 = arith.addi %add3A_55, %mul3A_54 : i32
      %swap3A_57 = arith.index_cast %add3A_56 : i32 to index
      %swap3A_58 = tpu.vector_load %arg8[%swap3A_57] {strides = array<i32>} : memref<8192xi32, #tpu.memory_space<vmem>>, vector<16xi32>,
      tpu.vector_store %arg8[%swap3A_57], %add3A_52 {strides = array<i32>} : memref<8192xi32, #tpu.memory_space<vmem>>, vector<16xi32>,
      %add3A_59 = arith.constant 300000 : i32
      %add3A_60 = vector.broadcast %add3A_59 : i32 to vector<16xi32>
      %add3A_61 = arith.addi %get3A_32, %add3A_60 : vector<16xi32>
      %mul3A_62 = arith.constant 16 : i32
      %mul3A_63 = arith.muli %scan3A_27, %mul3A_62 : i32
      %add3A_64 = arith.constant 1536 : i32
      %add3A_65 = arith.addi %add3A_64, %mul3A_63 : i32
      %swap3A_66 = arith.index_cast %add3A_65 : i32 to index
      %swap3A_67 = tpu.vector_load %arg8[%swap3A_66] {strides = array<i32>} : memref<8192xi32, #tpu.memory_space<vmem>>, vector<16xi32>,
      tpu.vector_store %arg8[%swap3A_66], %add3A_61 {strides = array<i32>} : memref<8192xi32, #tpu.memory_space<vmem>>, vector<16xi32>,
      %add3A_68 = arith.constant 400000 : i32
      %add3A_69 = vector.broadcast %add3A_68 : i32 to vector<16xi32>
      %add3A_70 = arith.addi %get3A_32, %add3A_69 : vector<16xi32>
      %mul3A_71 = arith.constant 16 : i32
      %mul3A_72 = arith.muli %scan3A_27, %mul3A_71 : i32
      %add3A_73 = arith.constant 2048 : i32
      %add3A_74 = arith.addi %add3A_73, %mul3A_72 : i32
      %swap3A_75 = arith.index_cast %add3A_74 : i32 to index
      %swap3A_76 = tpu.vector_load %arg8[%swap3A_75] {strides = array<i32>} : memref<8192xi32, #tpu.memory_space<vmem>>, vector<16xi32>,
      tpu.vector_store %arg8[%swap3A_75], %add3A_70 {strides = array<i32>} : memref<8192xi32, #tpu.memory_space<vmem>>, vector<16xi32>,
      %add3A_77 = arith.constant 500000 : i32
      %add3A_78 = vector.broadcast %add3A_77 : i32 to vector<16xi32>
      %add3A_79 = arith.addi %get3A_32, %add3A_78 : vector<16xi32>
      %mul3A_80 = arith.constant 16 : i32
      %mul3A_81 = arith.muli %scan3A_27, %mul3A_80 : i32
      %add3A_82 = arith.constant 2560 : i32
      %add3A_83 = arith.addi %add3A_82, %mul3A_81 : i32
      %swap3A_84 = arith.index_cast %add3A_83 : i32 to index
      %swap3A_85 = tpu.vector_load %arg8[%swap3A_84] {strides = array<i32>} : memref<8192xi32, #tpu.memory_space<vmem>>, vector<16xi32>,
      tpu.vector_store %arg8[%swap3A_84], %add3A_79 {strides = array<i32>} : memref<8192xi32, #tpu.memory_space<vmem>>, vector<16xi32>,
      %add3A_86 = arith.constant 600000 : i32
      %add3A_87 = vector.broadcast %add3A_86 : i32 to vector<16xi32>
      %add3A_88 = arith.addi %get3A_32, %add3A_87 : vector<16xi32>
      %mul3A_89 = arith.constant 16 : i32
      %mul3A_90 = arith.muli %scan3A_27, %mul3A_89 : i32
      %add3A_91 = arith.constant 3072 : i32
      %add3A_92 = arith.addi %add3A_91, %mul3A_90 : i32
      %swap3A_93 = arith.index_cast %add3A_92 : i32 to index
      %swap3A_94 = tpu.vector_load %arg8[%swap3A_93] {strides = array<i32>} : memref<8192xi32, #tpu.memory_space<vmem>>, vector<16xi32>,
      tpu.vector_store %arg8[%swap3A_93], %add3A_88 {strides = array<i32>} : memref<8192xi32, #tpu.memory_space<vmem>>, vector<16xi32>,
      %add3A_95 = arith.constant 700000 : i32
      %add3A_96 = vector.broadcast %add3A_95 : i32 to vector<16xi32>
      %add3A_97 = arith.addi %get3A_32, %add3A_96 : vector<16xi32>
      %mul3A_98 = arith.constant 16 : i32
      %mul3A_99 = arith.muli %scan3A_27, %mul3A_98 : i32
      %add3A_100 = arith.constant 3584 : i32
      %add3A_101 = arith.addi %add3A_100, %mul3A_99 : i32
      %swap3A_102 = arith.index_cast %add3A_101 : i32 to index
      %swap3A_103 = tpu.vector_load %arg8[%swap3A_102] {strides = array<i32>} : memref<8192xi32, #tpu.memory_space<vmem>>, vector<16xi32>,
      tpu.vector_store %arg8[%swap3A_102], %add3A_97 {strides = array<i32>} : memref<8192xi32, #tpu.memory_space<vmem>>, vector<16xi32>,
      %add3A_104 = arith.constant 800000 : i32
      %add3A_105 = vector.broadcast %add3A_104 : i32 to vector<16xi32>
      %add3A_106 = arith.addi %get3A_32, %add3A_105 : vector<16xi32>
      %mul3A_107 = arith.constant 16 : i32
      %mul3A_108 = arith.muli %scan3A_27, %mul3A_107 : i32
      %add3A_109 = arith.constant 4096 : i32
      %add3A_110 = arith.addi %add3A_109, %mul3A_108 : i32
      %swap3A_111 = arith.index_cast %add3A_110 : i32 to index
      %swap3A_112 = tpu.vector_load %arg8[%swap3A_111] {strides = array<i32>} : memref<8192xi32, #tpu.memory_space<vmem>>, vector<16xi32>,
      tpu.vector_store %arg8[%swap3A_111], %add3A_106 {strides = array<i32>} : memref<8192xi32, #tpu.memory_space<vmem>>, vector<16xi32>,
      %add3A_113 = arith.constant 900000 : i32
      %add3A_114 = vector.broadcast %add3A_113 : i32 to vector<16xi32>
      %add3A_115 = arith.addi %get3A_32, %add3A_114 : vector<16xi32>
      %mul3A_116 = arith.constant 16 : i32
      %mul3A_117 = arith.muli %scan3A_27, %mul3A_116 : i32
      %add3A_118 = arith.constant 4608 : i32
      %add3A_119 = arith.addi %add3A_118, %mul3A_117 : i32
      %swap3A_120 = arith.index_cast %add3A_119 : i32 to index
      %swap3A_121 = tpu.vector_load %arg8[%swap3A_120] {strides = array<i32>} : memref<8192xi32, #tpu.memory_space<vmem>>, vector<16xi32>,
      tpu.vector_store %arg8[%swap3A_120], %add3A_115 {strides = array<i32>} : memref<8192xi32, #tpu.memory_space<vmem>>, vector<16xi32>,
      %add3A_122 = arith.constant 1000000 : i32
      %add3A_123 = vector.broadcast %add3A_122 : i32 to vector<16xi32>
      %add3A_124 = arith.addi %get3A_32, %add3A_123 : vector<16xi32>
      %mul3A_125 = arith.constant 16 : i32
      %mul3A_126 = arith.muli %scan3A_27, %mul3A_125 : i32
      %add3A_127 = arith.constant 5120 : i32
      %add3A_128 = arith.addi %add3A_127, %mul3A_126 : i32
      %swap3A_129 = arith.index_cast %add3A_128 : i32 to index
      %swap3A_130 = tpu.vector_load %arg8[%swap3A_129] {strides = array<i32>} : memref<8192xi32, #tpu.memory_space<vmem>>, vector<16xi32>,
      tpu.vector_store %arg8[%swap3A_129], %add3A_124 {strides = array<i32>} : memref<8192xi32, #tpu.memory_space<vmem>>, vector<16xi32>,
      %add3A_131 = arith.constant 1100000 : i32
      %add3A_132 = vector.broadcast %add3A_131 : i32 to vector<16xi32>
      %add3A_133 = arith.addi %get3A_32, %add3A_132 : vector<16xi32>
      %mul3A_134 = arith.constant 16 : i32
      %mul3A_135 = arith.muli %scan3A_27, %mul3A_134 : i32
      %add3A_136 = arith.constant 5632 : i32
      %add3A_137 = arith.addi %add3A_136, %mul3A_135 : i32
      %swap3A_138 = arith.index_cast %add3A_137 : i32 to index
      %swap3A_139 = tpu.vector_load %arg8[%swap3A_138] {strides = array<i32>} : memref<8192xi32, #tpu.memory_space<vmem>>, vector<16xi32>,
      tpu.vector_store %arg8[%swap3A_138], %add3A_133 {strides = array<i32>} : memref<8192xi32, #tpu.memory_space<vmem>>, vector<16xi32>,
      %add3A_140 = arith.constant 1200000 : i32
      %add3A_141 = vector.broadcast %add3A_140 : i32 to vector<16xi32>
      %add3A_142 = arith.addi %get3A_32, %add3A_141 : vector<16xi32>
      %mul3A_143 = arith.constant 16 : i32
      %mul3A_144 = arith.muli %scan3A_27, %mul3A_143 : i32
      %add3A_145 = arith.constant 6144 : i32
      %add3A_146 = arith.addi %add3A_145, %mul3A_144 : i32
      %swap3A_147 = arith.index_cast %add3A_146 : i32 to index
      %swap3A_148 = tpu.vector_load %arg8[%swap3A_147] {strides = array<i32>} : memref<8192xi32, #tpu.memory_space<vmem>>, vector<16xi32>,
      tpu.vector_store %arg8[%swap3A_147], %add3A_142 {strides = array<i32>} : memref<8192xi32, #tpu.memory_space<vmem>>, vector<16xi32>,
      %add3A_149 = arith.constant 1300000 : i32
      %add3A_150 = vector.broadcast %add3A_149 : i32 to vector<16xi32>
      %add3A_151 = arith.addi %get3A_32, %add3A_150 : vector<16xi32>
      %mul3A_152 = arith.constant 16 : i32
      %mul3A_153 = arith.muli %scan3A_27, %mul3A_152 : i32
      %add3A_154 = arith.constant 6656 : i32
      %add3A_155 = arith.addi %add3A_154, %mul3A_153 : i32
      %swap3A_156 = arith.index_cast %add3A_155 : i32 to index
      %swap3A_157 = tpu.vector_load %arg8[%swap3A_156] {strides = array<i32>} : memref<8192xi32, #tpu.memory_space<vmem>>, vector<16xi32>,
      tpu.vector_store %arg8[%swap3A_156], %add3A_151 {strides = array<i32>} : memref<8192xi32, #tpu.memory_space<vmem>>, vector<16xi32>,
      %add3A_158 = arith.constant 1400000 : i32
      %add3A_159 = vector.broadcast %add3A_158 : i32 to vector<16xi32>
      %add3A_160 = arith.addi %get3A_32, %add3A_159 : vector<16xi32>
      %mul3A_161 = arith.constant 16 : i32
      %mul3A_162 = arith.muli %scan3A_27, %mul3A_161 : i32
      %add3A_163 = arith.constant 7168 : i32
      %add3A_164 = arith.addi %add3A_163, %mul3A_162 : i32
      %swap3A_165 = arith.index_cast %add3A_164 : i32 to index
      %swap3A_166 = tpu.vector_load %arg8[%swap3A_165] {strides = array<i32>} : memref<8192xi32, #tpu.memory_space<vmem>>, vector<16xi32>,
      tpu.vector_store %arg8[%swap3A_165], %add3A_160 {strides = array<i32>} : memref<8192xi32, #tpu.memory_space<vmem>>, vector<16xi32>,
      %add3A_167 = arith.constant 1500000 : i32
      %add3A_168 = vector.broadcast %add3A_167 : i32 to vector<16xi32>
      %add3A_169 = arith.addi %get3A_32, %add3A_168 : vector<16xi32>
      %mul3A_170 = arith.constant 16 : i32
      %mul3A_171 = arith.muli %scan3A_27, %mul3A_170 : i32
      %add3A_172 = arith.constant 7680 : i32
      %add3A_173 = arith.addi %add3A_172, %mul3A_171 : i32
      %swap3A_174 = arith.index_cast %add3A_173 : i32 to index
      %swap3A_175 = tpu.vector_load %arg8[%swap3A_174] {strides = array<i32>} : memref<8192xi32, #tpu.memory_space<vmem>>, vector<16xi32>,
      tpu.vector_store %arg8[%swap3A_174], %add3A_169 {strides = array<i32>} : memref<8192xi32, #tpu.memory_space<vmem>>, vector<16xi32>,
    }
    %scan3A_10 = arith.constant 32 : i32
    %dma_start3A = arith.constant 0 : i32
    %dma_start3A_11 = tpu.memref_slice %arg3[%dma_start3A] : memref<1600000xf32, #tpu.memory_space<hbm>> -> memref<1600000xf32, #tpu.memory_space<hbm>>
    tpu.enqueue_indirect_dma source(%dma_start3A_11 : memref<1600000xf32, #tpu.memory_space<hbm>>) target(%arg9 : memref<8192xf32, #tpu.memory_space<vmem>>) offsets(%arg8 : memref<8192xi32, #tpu.memory_space<vmem>>) semaphore(%arg13 : memref<!tpu.dma_semaphore, #tpu.memory_space<semaphore_mem>>)
    %dma_start3A_12 = arith.constant 0 : i32
    %dma_start3A_13 = tpu.memref_slice %arg4[%dma_start3A_12] : memref<1600000xf32, #tpu.memory_space<hbm>> -> memref<1600000xf32, #tpu.memory_space<hbm>>
    tpu.enqueue_indirect_dma source(%dma_start3A_13 : memref<1600000xf32, #tpu.memory_space<hbm>>) target(%arg10 : memref<8192xf32, #tpu.memory_space<vmem>>) offsets(%arg8 : memref<8192xi32, #tpu.memory_space<vmem>>) semaphore(%arg13 : memref<!tpu.dma_semaphore, #tpu.memory_space<semaphore_mem>>)
    %dma_wait3A = arith.constant 0 : i32
    %dma_wait3A_14 = tpu.memref_slice %arg3[%dma_wait3A] : memref<1600000xf32, #tpu.memory_space<hbm>> -> memref<1600000xf32, #tpu.memory_space<hbm>>
    tpu.wait_indirect_dma semaphore(%arg13 : memref<!tpu.dma_semaphore, #tpu.memory_space<semaphore_mem>>) src(%dma_wait3A_14 : memref<1600000xf32, #tpu.memory_space<hbm>>) dst(%arg9 : memref<8192xf32, #tpu.memory_space<vmem>>)
    %dma_wait3A_15 = arith.constant 0 : i32
    %dma_wait3A_16 = tpu.memref_slice %arg4[%dma_wait3A_15] : memref<1600000xf32, #tpu.memory_space<hbm>> -> memref<1600000xf32, #tpu.memory_space<hbm>>
    tpu.wait_indirect_dma semaphore(%arg13 : memref<!tpu.dma_semaphore, #tpu.memory_space<semaphore_mem>>) src(%dma_wait3A_16 : memref<1600000xf32, #tpu.memory_space<hbm>>) dst(%arg10 : memref<8192xf32, #tpu.memory_space<vmem>>)
    %scan3A_17 = arith.constant 0 : i32
    %scan3A_18 = arith.constant 0 : i32
    %scan3A_19 = arith.constant 512 : i32
    %scan3A_20 = arith.addi %scan3A_18, %scan3A_19 : i32
    %scan3A_21 = arith.constant 1 : i32
    scf.for %scan3A_27 = %scan3A_18 to %scan3A_20 step %scan3A_21  : i32 {
      %add3A_28 = vector.broadcast %scan3A_27 : i32 to vector<16xi32>
      %add3A_29 = arith.addi %mul3A_5, %add3A_28 : vector<16xi32>
      %gather3A = tpu.vector_load_idx %arg9[%add3A_29] : memref<8192xf32, #tpu.memory_space<vmem>>[vector<16xi32>], vector<16xf32>,
      %swap3A = arith.index_cast %scan3A_27 : i32 to index
      %swap3A_30 = arith.constant 0 : index
      %swap3A_31 = tpu.vector_load %arg11[%swap3A, %swap3A_30] {strides = array<i32>} : memref<512x16xf32, #tpu.memory_space<vmem>>, vector<16xf32>,
      tpu.vector_store %arg11[%swap3A, %swap3A_30], %gather3A {strides = array<i32>} : memref<512x16xf32, #tpu.memory_space<vmem>>, vector<16xf32>,
      %gather3A_32 = tpu.vector_load_idx %arg10[%add3A_29] : memref<8192xf32, #tpu.memory_space<vmem>>[vector<16xi32>], vector<16xf32>,
      %swap3A_33 = arith.index_cast %scan3A_27 : i32 to index
      %swap3A_34 = arith.constant 0 : index
      %swap3A_35 = tpu.vector_load %arg12[%swap3A_33, %swap3A_34] {strides = array<i32>} : memref<512x16xf32, #tpu.memory_space<vmem>>, vector<16xf32>,
      tpu.vector_store %arg12[%swap3A_33, %swap3A_34], %gather3A_32 {strides = array<i32>} : memref<512x16xf32, #tpu.memory_space<vmem>>, vector<16xf32>,
    }
    %scan3A_22 = arith.constant 512 : i32
    %add3A_23 = arith.constant 0 : i32
    %add3A_24 = arith.addi %mul3A_2, %add3A_23 : i32
    "tpu.region"() ({
      %run_scoped3A = tpu.sem_alloc : memref<!tpu.dma_semaphore, #tpu.memory_space<semaphore_mem>>
      %dma_start3A_27 = arith.constant 0 : i32
      %dma_start3A_28 = tpu.memref_slice %arg5[%add3A_24, %dma_start3A_27] : memref<16384x16xf32, #tpu.memory_space<hbm>> -> memref<512x16xf32, #tpu.memory_space<hbm>>
      %dma_start3A_29 = arith.constant 0 : i32
      %dma_start3A_30 = tpu.memref_slice %arg5[%add3A_24, %dma_start3A_29] : memref<16384x16xf32, #tpu.memory_space<hbm>> -> memref<512x16xf32, #tpu.memory_space<hbm>>
      tpu.enqueue_dma source(%arg11 : memref<512x16xf32, #tpu.memory_space<vmem>>) target(%dma_start3A_30 : memref<512x16xf32, #tpu.memory_space<hbm>>) target_semaphore(%run_scoped3A : memref<!tpu.dma_semaphore, #tpu.memory_space<semaphore_mem>>)
      %dma_wait3A_31 = arith.constant 0 : i32
      %dma_wait3A_32 = tpu.memref_slice %arg5[%add3A_24, %dma_wait3A_31] : memref<16384x16xf32, #tpu.memory_space<hbm>> -> memref<512x16xf32, #tpu.memory_space<hbm>>
      %dma_wait3A_33 = arith.constant 0 : i32
      %dma_wait3A_34 = tpu.memref_slice %arg5[%add3A_24, %dma_wait3A_33] : memref<16384x16xf32, #tpu.memory_space<hbm>> -> memref<512x16xf32, #tpu.memory_space<hbm>>
      tpu.wait_dma2 semaphore(%run_scoped3A : memref<!tpu.dma_semaphore, #tpu.memory_space<semaphore_mem>>) src(%arg11 : memref<512x16xf32, #tpu.memory_space<vmem>>) dst(%dma_wait3A_34 : memref<512x16xf32, #tpu.memory_space<hbm>>)
      tpu.yield
    }) : () -> ()
    %add3A_25 = arith.constant 0 : i32
    %add3A_26 = arith.addi %mul3A_2, %add3A_25 : i32
    "tpu.region"() ({
      %run_scoped3A = tpu.sem_alloc : memref<!tpu.dma_semaphore, #tpu.memory_space<semaphore_mem>>
      %dma_start3A_27 = arith.constant 0 : i32
      %dma_start3A_28 = tpu.memref_slice %arg6[%add3A_26, %dma_start3A_27] : memref<16384x16xf32, #tpu.memory_space<hbm>> -> memref<512x16xf32, #tpu.memory_space<hbm>>
      %dma_start3A_29 = arith.constant 0 : i32
      %dma_start3A_30 = tpu.memref_slice %arg6[%add3A_26, %dma_start3A_29] : memref<16384x16xf32, #tpu.memory_space<hbm>> -> memref<512x16xf32, #tpu.memory_space<hbm>>
      tpu.enqueue_dma source(%arg12 : memref<512x16xf32, #tpu.memory_space<vmem>>) target(%dma_start3A_30 : memref<512x16xf32, #tpu.memory_space<hbm>>) target_semaphore(%run_scoped3A : memref<!tpu.dma_semaphore, #tpu.memory_space<semaphore_mem>>)
      %dma_wait3A_31 = arith.constant 0 : i32
      %dma_wait3A_32 = tpu.memref_slice %arg6[%add3A_26, %dma_wait3A_31] : memref<16384x16xf32, #tpu.memory_space<hbm>> -> memref<512x16xf32, #tpu.memory_space<hbm>>
      %dma_wait3A_33 = arith.constant 0 : i32
      %dma_wait3A_34 = tpu.memref_slice %arg6[%add3A_26, %dma_wait3A_33] : memref<16384x16xf32, #tpu.memory_space<hbm>> -> memref<512x16xf32, #tpu.memory_space<hbm>>
      tpu.wait_dma2 semaphore(%run_scoped3A : memref<!tpu.dma_semaphore, #tpu.memory_space<semaphore_mem>>) src(%arg12 : memref<512x16xf32, #tpu.memory_space<vmem>>) dst(%dma_wait3A_34 : memref<512x16xf32, #tpu.memory_space<hbm>>)
      tpu.yield
    }) : () -> ()
    return
  }
}

#map = affine_map<(d0, d1) -> (0)>
#map1 = affine_map<(d0, d1) -> (0, 0)>
module attributes {stable_mosaic.version = 14 : i64} {
  func.func @_sc_ug_body(%arg0: i32, %arg1: i32, %arg2: memref<16384xi32, #tpu.memory_space<hbm>>, %arg3: memref<16384x16xf32, #tpu.memory_space<hbm>>, %arg4: memref<2097152xf32, #tpu.memory_space<hbm>>, %arg5: memref<2097152xf32, #tpu.memory_space<hbm>>, %arg6: memref<2097152xf32, #tpu.memory_space<hbm>>, %arg7: memref<2097152xf32, #tpu.memory_space<hbm>>, %arg8: memref<2097152xf32, #tpu.memory_space<hbm>>, %arg9: memref<2097152xf32, #tpu.memory_space<hbm>>, %arg10: memref<2097152xf32, #tpu.memory_space<hbm>>, %arg11: memref<2097152xf32, #tpu.memory_space<hbm>>, %arg12: memref<16384x16xf32, #tpu.memory_space<hbm>>, %arg13: memref<512xi32, #tpu.memory_space<vmem>>, %arg14: memref<512xi32, #tpu.memory_space<vmem>>, %arg15: memref<8192xf32, #tpu.memory_space<vmem>>, %arg16: memref<8192xf32, #tpu.memory_space<vmem>>, %arg17: memref<512x16xf32, #tpu.memory_space<vmem>>, %arg18: memref<512x16xf32, #tpu.memory_space<vmem>>, %arg19: memref<!tpu.dma_semaphore, #tpu.memory_space<semaphore_mem>>, %arg20: memref<!tpu.dma_semaphore, #tpu.memory_space<semaphore_mem>>) attributes {dimension_semantics = [#tpu.dimension_semantics<core_parallel>, #tpu.dimension_semantics<subcore_parallel>], iteration_bounds = array<i64: 2, 16>, scalar_prefetch = 0 : i64, scratch_operands = 8 : i64, tpu.core_type = #tpu.core_type<sc_vector_subcore>, window_params = [{transform_indices = #map}, {transform_indices = #map1}, {transform_indices = #map}, {transform_indices = #map}, {transform_indices = #map}, {transform_indices = #map}, {transform_indices = #map}, {transform_indices = #map}, {transform_indices = #map}, {transform_indices = #map}, {transform_indices = #map1}]} {
    %mul3A = arith.constant 2 : i32
    %mul3A_0 = arith.muli %arg1, %mul3A : i32
    %add3A = arith.addi %mul3A_0, %arg0 : i32
    %mul3A_1 = arith.constant 512 : i32
    %mul3A_2 = arith.muli %add3A, %mul3A_1 : i32
    "tpu.region"() ({
      %run_scoped3A = tpu.sem_alloc : memref<!tpu.dma_semaphore, #tpu.memory_space<semaphore_mem>>
      %dma_start3A_211 = tpu.memref_slice %arg2[%mul3A_2] : memref<16384xi32, #tpu.memory_space<hbm>> -> memref<512xi32, #tpu.memory_space<hbm>>
      %dma_start3A_212 = tpu.memref_slice %arg2[%mul3A_2] : memref<16384xi32, #tpu.memory_space<hbm>> -> memref<512xi32, #tpu.memory_space<hbm>>
      tpu.enqueue_dma source(%dma_start3A_212 : memref<512xi32, #tpu.memory_space<hbm>>) target(%arg13 : memref<512xi32, #tpu.memory_space<vmem>>) target_semaphore(%run_scoped3A : memref<!tpu.dma_semaphore, #tpu.memory_space<semaphore_mem>>)
      %dma_wait3A_213 = tpu.memref_slice %arg2[%mul3A_2] : memref<16384xi32, #tpu.memory_space<hbm>> -> memref<512xi32, #tpu.memory_space<hbm>>
      %dma_wait3A_214 = tpu.memref_slice %arg2[%mul3A_2] : memref<16384xi32, #tpu.memory_space<hbm>> -> memref<512xi32, #tpu.memory_space<hbm>>
      tpu.wait_dma2 semaphore(%run_scoped3A : memref<!tpu.dma_semaphore, #tpu.memory_space<semaphore_mem>>) src(%dma_wait3A_214 : memref<512xi32, #tpu.memory_space<hbm>>) dst(%arg13 : memref<512xi32, #tpu.memory_space<vmem>>)
      tpu.yield
    }) : () -> ()
    %iota3A = tpu.iota {dimensions = array<i32: 0>} : vector<16xi32>
    %mul3A_3 = arith.constant 512 : i32
    %mul3A_4 = vector.broadcast %mul3A_3 : i32 to vector<16xi32>
    %mul3A_5 = arith.muli %iota3A, %mul3A_4 : vector<16xi32>
    %scan3A = arith.constant 0 : i32
    %scan3A_6 = arith.constant 0 : i32
    %scan3A_7 = arith.constant 32 : i32
    %scan3A_8 = arith.addi %scan3A_6, %scan3A_7 : i32
    %scan3A_9 = arith.constant 1 : i32
    scf.for %scan3A_211 = %scan3A_6 to %scan3A_8 step %scan3A_9  : i32 {
      %mul3A_212 = arith.constant 16 : i32
      %mul3A_213 = arith.muli %scan3A_211, %mul3A_212 : i32
      %get3A = arith.index_cast %mul3A_213 : i32 to index
      %get3A_214 = tpu.vector_load %arg13[%get3A] {strides = array<i32>} : memref<512xi32, #tpu.memory_space<vmem>>, vector<16xi32>,
      %add3A_215 = arith.constant 1048576 : i32
      %add3A_216 = vector.broadcast %add3A_215 : i32 to vector<16xi32>
      %add3A_217 = arith.addi %get3A_214, %add3A_216 : vector<16xi32>
      %swap3A = arith.index_cast %mul3A_213 : i32 to index
      %swap3A_218 = tpu.vector_load %arg14[%swap3A] {strides = array<i32>} : memref<512xi32, #tpu.memory_space<vmem>>, vector<16xi32>,
      tpu.vector_store %arg14[%swap3A], %add3A_217 {strides = array<i32>} : memref<512xi32, #tpu.memory_space<vmem>>, vector<16xi32>,
    }
    %scan3A_10 = arith.constant 32 : i32
    %dma_start3A = arith.constant 0 : i32
    %dma_start3A_11 = tpu.memref_slice %arg15[%dma_start3A] : memref<8192xf32, #tpu.memory_space<vmem>> -> memref<512xf32, #tpu.memory_space<vmem>>
    %dma_start3A_12 = arith.constant 0 : i32
    %dma_start3A_13 = tpu.memref_slice %arg13[%dma_start3A_12] : memref<512xi32, #tpu.memory_space<vmem>> -> memref<512xi32, #tpu.memory_space<vmem>>
    %dma_start3A_14 = arith.constant 0 : i32
    %dma_start3A_15 = tpu.memref_slice %arg4[%dma_start3A_14] : memref<2097152xf32, #tpu.memory_space<hbm>> -> memref<2097152xf32, #tpu.memory_space<hbm>>
    tpu.enqueue_indirect_dma source(%dma_start3A_15 : memref<2097152xf32, #tpu.memory_space<hbm>>) target(%dma_start3A_11 : memref<512xf32, #tpu.memory_space<vmem>>) offsets(%dma_start3A_13 : memref<512xi32, #tpu.memory_space<vmem>>) semaphore(%arg19 : memref<!tpu.dma_semaphore, #tpu.memory_space<semaphore_mem>>)
    %dma_start3A_16 = arith.constant 4096 : i32
    %dma_start3A_17 = tpu.memref_slice %arg15[%dma_start3A_16] : memref<8192xf32, #tpu.memory_space<vmem>> -> memref<512xf32, #tpu.memory_space<vmem>>
    %dma_start3A_18 = arith.constant 0 : i32
    %dma_start3A_19 = tpu.memref_slice %arg14[%dma_start3A_18] : memref<512xi32, #tpu.memory_space<vmem>> -> memref<512xi32, #tpu.memory_space<vmem>>
    %dma_start3A_20 = arith.constant 0 : i32
    %dma_start3A_21 = tpu.memref_slice %arg4[%dma_start3A_20] : memref<2097152xf32, #tpu.memory_space<hbm>> -> memref<2097152xf32, #tpu.memory_space<hbm>>
    tpu.enqueue_indirect_dma source(%dma_start3A_21 : memref<2097152xf32, #tpu.memory_space<hbm>>) target(%dma_start3A_17 : memref<512xf32, #tpu.memory_space<vmem>>) offsets(%dma_start3A_19 : memref<512xi32, #tpu.memory_space<vmem>>) semaphore(%arg19 : memref<!tpu.dma_semaphore, #tpu.memory_space<semaphore_mem>>)
    %dma_start3A_22 = arith.constant 512 : i32
    %dma_start3A_23 = tpu.memref_slice %arg15[%dma_start3A_22] : memref<8192xf32, #tpu.memory_space<vmem>> -> memref<512xf32, #tpu.memory_space<vmem>>
    %dma_start3A_24 = arith.constant 0 : i32
    %dma_start3A_25 = tpu.memref_slice %arg13[%dma_start3A_24] : memref<512xi32, #tpu.memory_space<vmem>> -> memref<512xi32, #tpu.memory_space<vmem>>
    %dma_start3A_26 = arith.constant 0 : i32
    %dma_start3A_27 = tpu.memref_slice %arg5[%dma_start3A_26] : memref<2097152xf32, #tpu.memory_space<hbm>> -> memref<2097152xf32, #tpu.memory_space<hbm>>
    tpu.enqueue_indirect_dma source(%dma_start3A_27 : memref<2097152xf32, #tpu.memory_space<hbm>>) target(%dma_start3A_23 : memref<512xf32, #tpu.memory_space<vmem>>) offsets(%dma_start3A_25 : memref<512xi32, #tpu.memory_space<vmem>>) semaphore(%arg19 : memref<!tpu.dma_semaphore, #tpu.memory_space<semaphore_mem>>)
    %dma_start3A_28 = arith.constant 4608 : i32
    %dma_start3A_29 = tpu.memref_slice %arg15[%dma_start3A_28] : memref<8192xf32, #tpu.memory_space<vmem>> -> memref<512xf32, #tpu.memory_space<vmem>>
    %dma_start3A_30 = arith.constant 0 : i32
    %dma_start3A_31 = tpu.memref_slice %arg14[%dma_start3A_30] : memref<512xi32, #tpu.memory_space<vmem>> -> memref<512xi32, #tpu.memory_space<vmem>>
    %dma_start3A_32 = arith.constant 0 : i32
    %dma_start3A_33 = tpu.memref_slice %arg5[%dma_start3A_32] : memref<2097152xf32, #tpu.memory_space<hbm>> -> memref<2097152xf32, #tpu.memory_space<hbm>>
    tpu.enqueue_indirect_dma source(%dma_start3A_33 : memref<2097152xf32, #tpu.memory_space<hbm>>) target(%dma_start3A_29 : memref<512xf32, #tpu.memory_space<vmem>>) offsets(%dma_start3A_31 : memref<512xi32, #tpu.memory_space<vmem>>) semaphore(%arg19 : memref<!tpu.dma_semaphore, #tpu.memory_space<semaphore_mem>>)
    %dma_start3A_34 = arith.constant 1024 : i32
    %dma_start3A_35 = tpu.memref_slice %arg15[%dma_start3A_34] : memref<8192xf32, #tpu.memory_space<vmem>> -> memref<512xf32, #tpu.memory_space<vmem>>
    %dma_start3A_36 = arith.constant 0 : i32
    %dma_start3A_37 = tpu.memref_slice %arg13[%dma_start3A_36] : memref<512xi32, #tpu.memory_space<vmem>> -> memref<512xi32, #tpu.memory_space<vmem>>
    %dma_start3A_38 = arith.constant 0 : i32
    %dma_start3A_39 = tpu.memref_slice %arg6[%dma_start3A_38] : memref<2097152xf32, #tpu.memory_space<hbm>> -> memref<2097152xf32, #tpu.memory_space<hbm>>
    tpu.enqueue_indirect_dma source(%dma_start3A_39 : memref<2097152xf32, #tpu.memory_space<hbm>>) target(%dma_start3A_35 : memref<512xf32, #tpu.memory_space<vmem>>) offsets(%dma_start3A_37 : memref<512xi32, #tpu.memory_space<vmem>>) semaphore(%arg19 : memref<!tpu.dma_semaphore, #tpu.memory_space<semaphore_mem>>)
    %dma_start3A_40 = arith.constant 5120 : i32
    %dma_start3A_41 = tpu.memref_slice %arg15[%dma_start3A_40] : memref<8192xf32, #tpu.memory_space<vmem>> -> memref<512xf32, #tpu.memory_space<vmem>>
    %dma_start3A_42 = arith.constant 0 : i32
    %dma_start3A_43 = tpu.memref_slice %arg14[%dma_start3A_42] : memref<512xi32, #tpu.memory_space<vmem>> -> memref<512xi32, #tpu.memory_space<vmem>>
    %dma_start3A_44 = arith.constant 0 : i32
    %dma_start3A_45 = tpu.memref_slice %arg6[%dma_start3A_44] : memref<2097152xf32, #tpu.memory_space<hbm>> -> memref<2097152xf32, #tpu.memory_space<hbm>>
    tpu.enqueue_indirect_dma source(%dma_start3A_45 : memref<2097152xf32, #tpu.memory_space<hbm>>) target(%dma_start3A_41 : memref<512xf32, #tpu.memory_space<vmem>>) offsets(%dma_start3A_43 : memref<512xi32, #tpu.memory_space<vmem>>) semaphore(%arg19 : memref<!tpu.dma_semaphore, #tpu.memory_space<semaphore_mem>>)
    %dma_start3A_46 = arith.constant 1536 : i32
    %dma_start3A_47 = tpu.memref_slice %arg15[%dma_start3A_46] : memref<8192xf32, #tpu.memory_space<vmem>> -> memref<512xf32, #tpu.memory_space<vmem>>
    %dma_start3A_48 = arith.constant 0 : i32
    %dma_start3A_49 = tpu.memref_slice %arg13[%dma_start3A_48] : memref<512xi32, #tpu.memory_space<vmem>> -> memref<512xi32, #tpu.memory_space<vmem>>
    %dma_start3A_50 = arith.constant 0 : i32
    %dma_start3A_51 = tpu.memref_slice %arg7[%dma_start3A_50] : memref<2097152xf32, #tpu.memory_space<hbm>> -> memref<2097152xf32, #tpu.memory_space<hbm>>
    tpu.enqueue_indirect_dma source(%dma_start3A_51 : memref<2097152xf32, #tpu.memory_space<hbm>>) target(%dma_start3A_47 : memref<512xf32, #tpu.memory_space<vmem>>) offsets(%dma_start3A_49 : memref<512xi32, #tpu.memory_space<vmem>>) semaphore(%arg19 : memref<!tpu.dma_semaphore, #tpu.memory_space<semaphore_mem>>)
    %dma_start3A_52 = arith.constant 5632 : i32
    %dma_start3A_53 = tpu.memref_slice %arg15[%dma_start3A_52] : memref<8192xf32, #tpu.memory_space<vmem>> -> memref<512xf32, #tpu.memory_space<vmem>>
    %dma_start3A_54 = arith.constant 0 : i32
    %dma_start3A_55 = tpu.memref_slice %arg14[%dma_start3A_54] : memref<512xi32, #tpu.memory_space<vmem>> -> memref<512xi32, #tpu.memory_space<vmem>>
    %dma_start3A_56 = arith.constant 0 : i32
    %dma_start3A_57 = tpu.memref_slice %arg7[%dma_start3A_56] : memref<2097152xf32, #tpu.memory_space<hbm>> -> memref<2097152xf32, #tpu.memory_space<hbm>>
    tpu.enqueue_indirect_dma source(%dma_start3A_57 : memref<2097152xf32, #tpu.memory_space<hbm>>) target(%dma_start3A_53 : memref<512xf32, #tpu.memory_space<vmem>>) offsets(%dma_start3A_55 : memref<512xi32, #tpu.memory_space<vmem>>) semaphore(%arg19 : memref<!tpu.dma_semaphore, #tpu.memory_space<semaphore_mem>>)
    %dma_start3A_58 = arith.constant 2048 : i32
    %dma_start3A_59 = tpu.memref_slice %arg15[%dma_start3A_58] : memref<8192xf32, #tpu.memory_space<vmem>> -> memref<512xf32, #tpu.memory_space<vmem>>
    %dma_start3A_60 = arith.constant 0 : i32
    %dma_start3A_61 = tpu.memref_slice %arg13[%dma_start3A_60] : memref<512xi32, #tpu.memory_space<vmem>> -> memref<512xi32, #tpu.memory_space<vmem>>
    %dma_start3A_62 = arith.constant 0 : i32
    %dma_start3A_63 = tpu.memref_slice %arg8[%dma_start3A_62] : memref<2097152xf32, #tpu.memory_space<hbm>> -> memref<2097152xf32, #tpu.memory_space<hbm>>
    tpu.enqueue_indirect_dma source(%dma_start3A_63 : memref<2097152xf32, #tpu.memory_space<hbm>>) target(%dma_start3A_59 : memref<512xf32, #tpu.memory_space<vmem>>) offsets(%dma_start3A_61 : memref<512xi32, #tpu.memory_space<vmem>>) semaphore(%arg19 : memref<!tpu.dma_semaphore, #tpu.memory_space<semaphore_mem>>)
    %dma_start3A_64 = arith.constant 6144 : i32
    %dma_start3A_65 = tpu.memref_slice %arg15[%dma_start3A_64] : memref<8192xf32, #tpu.memory_space<vmem>> -> memref<512xf32, #tpu.memory_space<vmem>>
    %dma_start3A_66 = arith.constant 0 : i32
    %dma_start3A_67 = tpu.memref_slice %arg14[%dma_start3A_66] : memref<512xi32, #tpu.memory_space<vmem>> -> memref<512xi32, #tpu.memory_space<vmem>>
    %dma_start3A_68 = arith.constant 0 : i32
    %dma_start3A_69 = tpu.memref_slice %arg8[%dma_start3A_68] : memref<2097152xf32, #tpu.memory_space<hbm>> -> memref<2097152xf32, #tpu.memory_space<hbm>>
    tpu.enqueue_indirect_dma source(%dma_start3A_69 : memref<2097152xf32, #tpu.memory_space<hbm>>) target(%dma_start3A_65 : memref<512xf32, #tpu.memory_space<vmem>>) offsets(%dma_start3A_67 : memref<512xi32, #tpu.memory_space<vmem>>) semaphore(%arg19 : memref<!tpu.dma_semaphore, #tpu.memory_space<semaphore_mem>>)
    %dma_start3A_70 = arith.constant 2560 : i32
    %dma_start3A_71 = tpu.memref_slice %arg15[%dma_start3A_70] : memref<8192xf32, #tpu.memory_space<vmem>> -> memref<512xf32, #tpu.memory_space<vmem>>
    %dma_start3A_72 = arith.constant 0 : i32
    %dma_start3A_73 = tpu.memref_slice %arg13[%dma_start3A_72] : memref<512xi32, #tpu.memory_space<vmem>> -> memref<512xi32, #tpu.memory_space<vmem>>
    %dma_start3A_74 = arith.constant 0 : i32
    %dma_start3A_75 = tpu.memref_slice %arg9[%dma_start3A_74] : memref<2097152xf32, #tpu.memory_space<hbm>> -> memref<2097152xf32, #tpu.memory_space<hbm>>
    tpu.enqueue_indirect_dma source(%dma_start3A_75 : memref<2097152xf32, #tpu.memory_space<hbm>>) target(%dma_start3A_71 : memref<512xf32, #tpu.memory_space<vmem>>) offsets(%dma_start3A_73 : memref<512xi32, #tpu.memory_space<vmem>>) semaphore(%arg19 : memref<!tpu.dma_semaphore, #tpu.memory_space<semaphore_mem>>)
    %dma_start3A_76 = arith.constant 6656 : i32
    %dma_start3A_77 = tpu.memref_slice %arg15[%dma_start3A_76] : memref<8192xf32, #tpu.memory_space<vmem>> -> memref<512xf32, #tpu.memory_space<vmem>>
    %dma_start3A_78 = arith.constant 0 : i32
    %dma_start3A_79 = tpu.memref_slice %arg14[%dma_start3A_78] : memref<512xi32, #tpu.memory_space<vmem>> -> memref<512xi32, #tpu.memory_space<vmem>>
    %dma_start3A_80 = arith.constant 0 : i32
    %dma_start3A_81 = tpu.memref_slice %arg9[%dma_start3A_80] : memref<2097152xf32, #tpu.memory_space<hbm>> -> memref<2097152xf32, #tpu.memory_space<hbm>>
    tpu.enqueue_indirect_dma source(%dma_start3A_81 : memref<2097152xf32, #tpu.memory_space<hbm>>) target(%dma_start3A_77 : memref<512xf32, #tpu.memory_space<vmem>>) offsets(%dma_start3A_79 : memref<512xi32, #tpu.memory_space<vmem>>) semaphore(%arg19 : memref<!tpu.dma_semaphore, #tpu.memory_space<semaphore_mem>>)
    %dma_start3A_82 = arith.constant 3072 : i32
    %dma_start3A_83 = tpu.memref_slice %arg15[%dma_start3A_82] : memref<8192xf32, #tpu.memory_space<vmem>> -> memref<512xf32, #tpu.memory_space<vmem>>
    %dma_start3A_84 = arith.constant 0 : i32
    %dma_start3A_85 = tpu.memref_slice %arg13[%dma_start3A_84] : memref<512xi32, #tpu.memory_space<vmem>> -> memref<512xi32, #tpu.memory_space<vmem>>
    %dma_start3A_86 = arith.constant 0 : i32
    %dma_start3A_87 = tpu.memref_slice %arg10[%dma_start3A_86] : memref<2097152xf32, #tpu.memory_space<hbm>> -> memref<2097152xf32, #tpu.memory_space<hbm>>
    tpu.enqueue_indirect_dma source(%dma_start3A_87 : memref<2097152xf32, #tpu.memory_space<hbm>>) target(%dma_start3A_83 : memref<512xf32, #tpu.memory_space<vmem>>) offsets(%dma_start3A_85 : memref<512xi32, #tpu.memory_space<vmem>>) semaphore(%arg19 : memref<!tpu.dma_semaphore, #tpu.memory_space<semaphore_mem>>)
    %dma_start3A_88 = arith.constant 7168 : i32
    %dma_start3A_89 = tpu.memref_slice %arg15[%dma_start3A_88] : memref<8192xf32, #tpu.memory_space<vmem>> -> memref<512xf32, #tpu.memory_space<vmem>>
    %dma_start3A_90 = arith.constant 0 : i32
    %dma_start3A_91 = tpu.memref_slice %arg14[%dma_start3A_90] : memref<512xi32, #tpu.memory_space<vmem>> -> memref<512xi32, #tpu.memory_space<vmem>>
    %dma_start3A_92 = arith.constant 0 : i32
    %dma_start3A_93 = tpu.memref_slice %arg10[%dma_start3A_92] : memref<2097152xf32, #tpu.memory_space<hbm>> -> memref<2097152xf32, #tpu.memory_space<hbm>>
    tpu.enqueue_indirect_dma source(%dma_start3A_93 : memref<2097152xf32, #tpu.memory_space<hbm>>) target(%dma_start3A_89 : memref<512xf32, #tpu.memory_space<vmem>>) offsets(%dma_start3A_91 : memref<512xi32, #tpu.memory_space<vmem>>) semaphore(%arg19 : memref<!tpu.dma_semaphore, #tpu.memory_space<semaphore_mem>>)
    %dma_start3A_94 = arith.constant 3584 : i32
    %dma_start3A_95 = tpu.memref_slice %arg15[%dma_start3A_94] : memref<8192xf32, #tpu.memory_space<vmem>> -> memref<512xf32, #tpu.memory_space<vmem>>
    %dma_start3A_96 = arith.constant 0 : i32
    %dma_start3A_97 = tpu.memref_slice %arg13[%dma_start3A_96] : memref<512xi32, #tpu.memory_space<vmem>> -> memref<512xi32, #tpu.memory_space<vmem>>
    %dma_start3A_98 = arith.constant 0 : i32
    %dma_start3A_99 = tpu.memref_slice %arg11[%dma_start3A_98] : memref<2097152xf32, #tpu.memory_space<hbm>> -> memref<2097152xf32, #tpu.memory_space<hbm>>
    tpu.enqueue_indirect_dma source(%dma_start3A_99 : memref<2097152xf32, #tpu.memory_space<hbm>>) target(%dma_start3A_95 : memref<512xf32, #tpu.memory_space<vmem>>) offsets(%dma_start3A_97 : memref<512xi32, #tpu.memory_space<vmem>>) semaphore(%arg19 : memref<!tpu.dma_semaphore, #tpu.memory_space<semaphore_mem>>)
    %dma_start3A_100 = arith.constant 7680 : i32
    %dma_start3A_101 = tpu.memref_slice %arg15[%dma_start3A_100] : memref<8192xf32, #tpu.memory_space<vmem>> -> memref<512xf32, #tpu.memory_space<vmem>>
    %dma_start3A_102 = arith.constant 0 : i32
    %dma_start3A_103 = tpu.memref_slice %arg14[%dma_start3A_102] : memref<512xi32, #tpu.memory_space<vmem>> -> memref<512xi32, #tpu.memory_space<vmem>>
    %dma_start3A_104 = arith.constant 0 : i32
    %dma_start3A_105 = tpu.memref_slice %arg11[%dma_start3A_104] : memref<2097152xf32, #tpu.memory_space<hbm>> -> memref<2097152xf32, #tpu.memory_space<hbm>>
    tpu.enqueue_indirect_dma source(%dma_start3A_105 : memref<2097152xf32, #tpu.memory_space<hbm>>) target(%dma_start3A_101 : memref<512xf32, #tpu.memory_space<vmem>>) offsets(%dma_start3A_103 : memref<512xi32, #tpu.memory_space<vmem>>) semaphore(%arg19 : memref<!tpu.dma_semaphore, #tpu.memory_space<semaphore_mem>>)
    %dma_wait3A = arith.constant 0 : i32
    %dma_wait3A_106 = tpu.memref_slice %arg15[%dma_wait3A] : memref<8192xf32, #tpu.memory_space<vmem>> -> memref<512xf32, #tpu.memory_space<vmem>>
    %dma_wait3A_107 = arith.constant 0 : i32
    %dma_wait3A_108 = tpu.memref_slice %arg13[%dma_wait3A_107] : memref<512xi32, #tpu.memory_space<vmem>> -> memref<512xi32, #tpu.memory_space<vmem>>
    %dma_wait3A_109 = arith.constant 0 : i32
    %dma_wait3A_110 = tpu.memref_slice %arg4[%dma_wait3A_109] : memref<2097152xf32, #tpu.memory_space<hbm>> -> memref<2097152xf32, #tpu.memory_space<hbm>>
    tpu.wait_indirect_dma semaphore(%arg19 : memref<!tpu.dma_semaphore, #tpu.memory_space<semaphore_mem>>) src(%dma_wait3A_110 : memref<2097152xf32, #tpu.memory_space<hbm>>) dst(%dma_wait3A_106 : memref<512xf32, #tpu.memory_space<vmem>>)
    %dma_wait3A_111 = arith.constant 4096 : i32
    %dma_wait3A_112 = tpu.memref_slice %arg15[%dma_wait3A_111] : memref<8192xf32, #tpu.memory_space<vmem>> -> memref<512xf32, #tpu.memory_space<vmem>>
    %dma_wait3A_113 = arith.constant 0 : i32
    %dma_wait3A_114 = tpu.memref_slice %arg14[%dma_wait3A_113] : memref<512xi32, #tpu.memory_space<vmem>> -> memref<512xi32, #tpu.memory_space<vmem>>
    %dma_wait3A_115 = arith.constant 0 : i32
    %dma_wait3A_116 = tpu.memref_slice %arg4[%dma_wait3A_115] : memref<2097152xf32, #tpu.memory_space<hbm>> -> memref<2097152xf32, #tpu.memory_space<hbm>>
    tpu.wait_indirect_dma semaphore(%arg19 : memref<!tpu.dma_semaphore, #tpu.memory_space<semaphore_mem>>) src(%dma_wait3A_116 : memref<2097152xf32, #tpu.memory_space<hbm>>) dst(%dma_wait3A_112 : memref<512xf32, #tpu.memory_space<vmem>>)
    %dma_wait3A_117 = arith.constant 512 : i32
    %dma_wait3A_118 = tpu.memref_slice %arg15[%dma_wait3A_117] : memref<8192xf32, #tpu.memory_space<vmem>> -> memref<512xf32, #tpu.memory_space<vmem>>
    %dma_wait3A_119 = arith.constant 0 : i32
    %dma_wait3A_120 = tpu.memref_slice %arg13[%dma_wait3A_119] : memref<512xi32, #tpu.memory_space<vmem>> -> memref<512xi32, #tpu.memory_space<vmem>>
    %dma_wait3A_121 = arith.constant 0 : i32
    %dma_wait3A_122 = tpu.memref_slice %arg5[%dma_wait3A_121] : memref<2097152xf32, #tpu.memory_space<hbm>> -> memref<2097152xf32, #tpu.memory_space<hbm>>
    tpu.wait_indirect_dma semaphore(%arg19 : memref<!tpu.dma_semaphore, #tpu.memory_space<semaphore_mem>>) src(%dma_wait3A_122 : memref<2097152xf32, #tpu.memory_space<hbm>>) dst(%dma_wait3A_118 : memref<512xf32, #tpu.memory_space<vmem>>)
    %dma_wait3A_123 = arith.constant 4608 : i32
    %dma_wait3A_124 = tpu.memref_slice %arg15[%dma_wait3A_123] : memref<8192xf32, #tpu.memory_space<vmem>> -> memref<512xf32, #tpu.memory_space<vmem>>
    %dma_wait3A_125 = arith.constant 0 : i32
    %dma_wait3A_126 = tpu.memref_slice %arg14[%dma_wait3A_125] : memref<512xi32, #tpu.memory_space<vmem>> -> memref<512xi32, #tpu.memory_space<vmem>>
    %dma_wait3A_127 = arith.constant 0 : i32
    %dma_wait3A_128 = tpu.memref_slice %arg5[%dma_wait3A_127] : memref<2097152xf32, #tpu.memory_space<hbm>> -> memref<2097152xf32, #tpu.memory_space<hbm>>
    tpu.wait_indirect_dma semaphore(%arg19 : memref<!tpu.dma_semaphore, #tpu.memory_space<semaphore_mem>>) src(%dma_wait3A_128 : memref<2097152xf32, #tpu.memory_space<hbm>>) dst(%dma_wait3A_124 : memref<512xf32, #tpu.memory_space<vmem>>)
    %dma_wait3A_129 = arith.constant 1024 : i32
    %dma_wait3A_130 = tpu.memref_slice %arg15[%dma_wait3A_129] : memref<8192xf32, #tpu.memory_space<vmem>> -> memref<512xf32, #tpu.memory_space<vmem>>
    %dma_wait3A_131 = arith.constant 0 : i32
    %dma_wait3A_132 = tpu.memref_slice %arg13[%dma_wait3A_131] : memref<512xi32, #tpu.memory_space<vmem>> -> memref<512xi32, #tpu.memory_space<vmem>>
    %dma_wait3A_133 = arith.constant 0 : i32
    %dma_wait3A_134 = tpu.memref_slice %arg6[%dma_wait3A_133] : memref<2097152xf32, #tpu.memory_space<hbm>> -> memref<2097152xf32, #tpu.memory_space<hbm>>
    tpu.wait_indirect_dma semaphore(%arg19 : memref<!tpu.dma_semaphore, #tpu.memory_space<semaphore_mem>>) src(%dma_wait3A_134 : memref<2097152xf32, #tpu.memory_space<hbm>>) dst(%dma_wait3A_130 : memref<512xf32, #tpu.memory_space<vmem>>)
    %dma_wait3A_135 = arith.constant 5120 : i32
    %dma_wait3A_136 = tpu.memref_slice %arg15[%dma_wait3A_135] : memref<8192xf32, #tpu.memory_space<vmem>> -> memref<512xf32, #tpu.memory_space<vmem>>
    %dma_wait3A_137 = arith.constant 0 : i32
    %dma_wait3A_138 = tpu.memref_slice %arg14[%dma_wait3A_137] : memref<512xi32, #tpu.memory_space<vmem>> -> memref<512xi32, #tpu.memory_space<vmem>>
    %dma_wait3A_139 = arith.constant 0 : i32
    %dma_wait3A_140 = tpu.memref_slice %arg6[%dma_wait3A_139] : memref<2097152xf32, #tpu.memory_space<hbm>> -> memref<2097152xf32, #tpu.memory_space<hbm>>
    tpu.wait_indirect_dma semaphore(%arg19 : memref<!tpu.dma_semaphore, #tpu.memory_space<semaphore_mem>>) src(%dma_wait3A_140 : memref<2097152xf32, #tpu.memory_space<hbm>>) dst(%dma_wait3A_136 : memref<512xf32, #tpu.memory_space<vmem>>)
    %dma_wait3A_141 = arith.constant 1536 : i32
    %dma_wait3A_142 = tpu.memref_slice %arg15[%dma_wait3A_141] : memref<8192xf32, #tpu.memory_space<vmem>> -> memref<512xf32, #tpu.memory_space<vmem>>
    %dma_wait3A_143 = arith.constant 0 : i32
    %dma_wait3A_144 = tpu.memref_slice %arg13[%dma_wait3A_143] : memref<512xi32, #tpu.memory_space<vmem>> -> memref<512xi32, #tpu.memory_space<vmem>>
    %dma_wait3A_145 = arith.constant 0 : i32
    %dma_wait3A_146 = tpu.memref_slice %arg7[%dma_wait3A_145] : memref<2097152xf32, #tpu.memory_space<hbm>> -> memref<2097152xf32, #tpu.memory_space<hbm>>
    tpu.wait_indirect_dma semaphore(%arg19 : memref<!tpu.dma_semaphore, #tpu.memory_space<semaphore_mem>>) src(%dma_wait3A_146 : memref<2097152xf32, #tpu.memory_space<hbm>>) dst(%dma_wait3A_142 : memref<512xf32, #tpu.memory_space<vmem>>)
    %dma_wait3A_147 = arith.constant 5632 : i32
    %dma_wait3A_148 = tpu.memref_slice %arg15[%dma_wait3A_147] : memref<8192xf32, #tpu.memory_space<vmem>> -> memref<512xf32, #tpu.memory_space<vmem>>
    %dma_wait3A_149 = arith.constant 0 : i32
    %dma_wait3A_150 = tpu.memref_slice %arg14[%dma_wait3A_149] : memref<512xi32, #tpu.memory_space<vmem>> -> memref<512xi32, #tpu.memory_space<vmem>>
    %dma_wait3A_151 = arith.constant 0 : i32
    %dma_wait3A_152 = tpu.memref_slice %arg7[%dma_wait3A_151] : memref<2097152xf32, #tpu.memory_space<hbm>> -> memref<2097152xf32, #tpu.memory_space<hbm>>
    tpu.wait_indirect_dma semaphore(%arg19 : memref<!tpu.dma_semaphore, #tpu.memory_space<semaphore_mem>>) src(%dma_wait3A_152 : memref<2097152xf32, #tpu.memory_space<hbm>>) dst(%dma_wait3A_148 : memref<512xf32, #tpu.memory_space<vmem>>)
    %dma_wait3A_153 = arith.constant 2048 : i32
    %dma_wait3A_154 = tpu.memref_slice %arg15[%dma_wait3A_153] : memref<8192xf32, #tpu.memory_space<vmem>> -> memref<512xf32, #tpu.memory_space<vmem>>
    %dma_wait3A_155 = arith.constant 0 : i32
    %dma_wait3A_156 = tpu.memref_slice %arg13[%dma_wait3A_155] : memref<512xi32, #tpu.memory_space<vmem>> -> memref<512xi32, #tpu.memory_space<vmem>>
    %dma_wait3A_157 = arith.constant 0 : i32
    %dma_wait3A_158 = tpu.memref_slice %arg8[%dma_wait3A_157] : memref<2097152xf32, #tpu.memory_space<hbm>> -> memref<2097152xf32, #tpu.memory_space<hbm>>
    tpu.wait_indirect_dma semaphore(%arg19 : memref<!tpu.dma_semaphore, #tpu.memory_space<semaphore_mem>>) src(%dma_wait3A_158 : memref<2097152xf32, #tpu.memory_space<hbm>>) dst(%dma_wait3A_154 : memref<512xf32, #tpu.memory_space<vmem>>)
    %dma_wait3A_159 = arith.constant 6144 : i32
    %dma_wait3A_160 = tpu.memref_slice %arg15[%dma_wait3A_159] : memref<8192xf32, #tpu.memory_space<vmem>> -> memref<512xf32, #tpu.memory_space<vmem>>
    %dma_wait3A_161 = arith.constant 0 : i32
    %dma_wait3A_162 = tpu.memref_slice %arg14[%dma_wait3A_161] : memref<512xi32, #tpu.memory_space<vmem>> -> memref<512xi32, #tpu.memory_space<vmem>>
    %dma_wait3A_163 = arith.constant 0 : i32
    %dma_wait3A_164 = tpu.memref_slice %arg8[%dma_wait3A_163] : memref<2097152xf32, #tpu.memory_space<hbm>> -> memref<2097152xf32, #tpu.memory_space<hbm>>
    tpu.wait_indirect_dma semaphore(%arg19 : memref<!tpu.dma_semaphore, #tpu.memory_space<semaphore_mem>>) src(%dma_wait3A_164 : memref<2097152xf32, #tpu.memory_space<hbm>>) dst(%dma_wait3A_160 : memref<512xf32, #tpu.memory_space<vmem>>)
    %dma_wait3A_165 = arith.constant 2560 : i32
    %dma_wait3A_166 = tpu.memref_slice %arg15[%dma_wait3A_165] : memref<8192xf32, #tpu.memory_space<vmem>> -> memref<512xf32, #tpu.memory_space<vmem>>
    %dma_wait3A_167 = arith.constant 0 : i32
    %dma_wait3A_168 = tpu.memref_slice %arg13[%dma_wait3A_167] : memref<512xi32, #tpu.memory_space<vmem>> -> memref<512xi32, #tpu.memory_space<vmem>>
    %dma_wait3A_169 = arith.constant 0 : i32
    %dma_wait3A_170 = tpu.memref_slice %arg9[%dma_wait3A_169] : memref<2097152xf32, #tpu.memory_space<hbm>> -> memref<2097152xf32, #tpu.memory_space<hbm>>
    tpu.wait_indirect_dma semaphore(%arg19 : memref<!tpu.dma_semaphore, #tpu.memory_space<semaphore_mem>>) src(%dma_wait3A_170 : memref<2097152xf32, #tpu.memory_space<hbm>>) dst(%dma_wait3A_166 : memref<512xf32, #tpu.memory_space<vmem>>)
    %dma_wait3A_171 = arith.constant 6656 : i32
    %dma_wait3A_172 = tpu.memref_slice %arg15[%dma_wait3A_171] : memref<8192xf32, #tpu.memory_space<vmem>> -> memref<512xf32, #tpu.memory_space<vmem>>
    %dma_wait3A_173 = arith.constant 0 : i32
    %dma_wait3A_174 = tpu.memref_slice %arg14[%dma_wait3A_173] : memref<512xi32, #tpu.memory_space<vmem>> -> memref<512xi32, #tpu.memory_space<vmem>>
    %dma_wait3A_175 = arith.constant 0 : i32
    %dma_wait3A_176 = tpu.memref_slice %arg9[%dma_wait3A_175] : memref<2097152xf32, #tpu.memory_space<hbm>> -> memref<2097152xf32, #tpu.memory_space<hbm>>
    tpu.wait_indirect_dma semaphore(%arg19 : memref<!tpu.dma_semaphore, #tpu.memory_space<semaphore_mem>>) src(%dma_wait3A_176 : memref<2097152xf32, #tpu.memory_space<hbm>>) dst(%dma_wait3A_172 : memref<512xf32, #tpu.memory_space<vmem>>)
    %dma_wait3A_177 = arith.constant 3072 : i32
    %dma_wait3A_178 = tpu.memref_slice %arg15[%dma_wait3A_177] : memref<8192xf32, #tpu.memory_space<vmem>> -> memref<512xf32, #tpu.memory_space<vmem>>
    %dma_wait3A_179 = arith.constant 0 : i32
    %dma_wait3A_180 = tpu.memref_slice %arg13[%dma_wait3A_179] : memref<512xi32, #tpu.memory_space<vmem>> -> memref<512xi32, #tpu.memory_space<vmem>>
    %dma_wait3A_181 = arith.constant 0 : i32
    %dma_wait3A_182 = tpu.memref_slice %arg10[%dma_wait3A_181] : memref<2097152xf32, #tpu.memory_space<hbm>> -> memref<2097152xf32, #tpu.memory_space<hbm>>
    tpu.wait_indirect_dma semaphore(%arg19 : memref<!tpu.dma_semaphore, #tpu.memory_space<semaphore_mem>>) src(%dma_wait3A_182 : memref<2097152xf32, #tpu.memory_space<hbm>>) dst(%dma_wait3A_178 : memref<512xf32, #tpu.memory_space<vmem>>)
    %dma_wait3A_183 = arith.constant 7168 : i32
    %dma_wait3A_184 = tpu.memref_slice %arg15[%dma_wait3A_183] : memref<8192xf32, #tpu.memory_space<vmem>> -> memref<512xf32, #tpu.memory_space<vmem>>
    %dma_wait3A_185 = arith.constant 0 : i32
    %dma_wait3A_186 = tpu.memref_slice %arg14[%dma_wait3A_185] : memref<512xi32, #tpu.memory_space<vmem>> -> memref<512xi32, #tpu.memory_space<vmem>>
    %dma_wait3A_187 = arith.constant 0 : i32
    %dma_wait3A_188 = tpu.memref_slice %arg10[%dma_wait3A_187] : memref<2097152xf32, #tpu.memory_space<hbm>> -> memref<2097152xf32, #tpu.memory_space<hbm>>
    tpu.wait_indirect_dma semaphore(%arg19 : memref<!tpu.dma_semaphore, #tpu.memory_space<semaphore_mem>>) src(%dma_wait3A_188 : memref<2097152xf32, #tpu.memory_space<hbm>>) dst(%dma_wait3A_184 : memref<512xf32, #tpu.memory_space<vmem>>)
    %dma_wait3A_189 = arith.constant 3584 : i32
    %dma_wait3A_190 = tpu.memref_slice %arg15[%dma_wait3A_189] : memref<8192xf32, #tpu.memory_space<vmem>> -> memref<512xf32, #tpu.memory_space<vmem>>
    %dma_wait3A_191 = arith.constant 0 : i32
    %dma_wait3A_192 = tpu.memref_slice %arg13[%dma_wait3A_191] : memref<512xi32, #tpu.memory_space<vmem>> -> memref<512xi32, #tpu.memory_space<vmem>>
    %dma_wait3A_193 = arith.constant 0 : i32
    %dma_wait3A_194 = tpu.memref_slice %arg11[%dma_wait3A_193] : memref<2097152xf32, #tpu.memory_space<hbm>> -> memref<2097152xf32, #tpu.memory_space<hbm>>
    tpu.wait_indirect_dma semaphore(%arg19 : memref<!tpu.dma_semaphore, #tpu.memory_space<semaphore_mem>>) src(%dma_wait3A_194 : memref<2097152xf32, #tpu.memory_space<hbm>>) dst(%dma_wait3A_190 : memref<512xf32, #tpu.memory_space<vmem>>)
    %dma_wait3A_195 = arith.constant 7680 : i32
    %dma_wait3A_196 = tpu.memref_slice %arg15[%dma_wait3A_195] : memref<8192xf32, #tpu.memory_space<vmem>> -> memref<512xf32, #tpu.memory_space<vmem>>
    %dma_wait3A_197 = arith.constant 0 : i32
    %dma_wait3A_198 = tpu.memref_slice %arg14[%dma_wait3A_197] : memref<512xi32, #tpu.memory_space<vmem>> -> memref<512xi32, #tpu.memory_space<vmem>>
    %dma_wait3A_199 = arith.constant 0 : i32
    %dma_wait3A_200 = tpu.memref_slice %arg11[%dma_wait3A_199] : memref<2097152xf32, #tpu.memory_space<hbm>> -> memref<2097152xf32, #tpu.memory_space<hbm>>
    tpu.wait_indirect_dma semaphore(%arg19 : memref<!tpu.dma_semaphore, #tpu.memory_space<semaphore_mem>>) src(%dma_wait3A_200 : memref<2097152xf32, #tpu.memory_space<hbm>>) dst(%dma_wait3A_196 : memref<512xf32, #tpu.memory_space<vmem>>)
    %add3A_201 = arith.constant 0 : i32
    %add3A_202 = arith.addi %mul3A_2, %add3A_201 : i32
    "tpu.region"() ({
      %run_scoped3A = tpu.sem_alloc : memref<!tpu.dma_semaphore, #tpu.memory_space<semaphore_mem>>
      %dma_start3A_211 = arith.constant 0 : i32
      %dma_start3A_212 = tpu.memref_slice %arg3[%add3A_202, %dma_start3A_211] : memref<16384x16xf32, #tpu.memory_space<hbm>> -> memref<512x16xf32, #tpu.memory_space<hbm>>
      %dma_start3A_213 = arith.constant 0 : i32
      %dma_start3A_214 = tpu.memref_slice %arg3[%add3A_202, %dma_start3A_213] : memref<16384x16xf32, #tpu.memory_space<hbm>> -> memref<512x16xf32, #tpu.memory_space<hbm>>
      tpu.enqueue_dma source(%dma_start3A_214 : memref<512x16xf32, #tpu.memory_space<hbm>>) target(%arg17 : memref<512x16xf32, #tpu.memory_space<vmem>>) target_semaphore(%run_scoped3A : memref<!tpu.dma_semaphore, #tpu.memory_space<semaphore_mem>>)
      %dma_wait3A_215 = arith.constant 0 : i32
      %dma_wait3A_216 = tpu.memref_slice %arg3[%add3A_202, %dma_wait3A_215] : memref<16384x16xf32, #tpu.memory_space<hbm>> -> memref<512x16xf32, #tpu.memory_space<hbm>>
      %dma_wait3A_217 = arith.constant 0 : i32
      %dma_wait3A_218 = tpu.memref_slice %arg3[%add3A_202, %dma_wait3A_217] : memref<16384x16xf32, #tpu.memory_space<hbm>> -> memref<512x16xf32, #tpu.memory_space<hbm>>
      tpu.wait_dma2 semaphore(%run_scoped3A : memref<!tpu.dma_semaphore, #tpu.memory_space<semaphore_mem>>) src(%dma_wait3A_218 : memref<512x16xf32, #tpu.memory_space<hbm>>) dst(%arg17 : memref<512x16xf32, #tpu.memory_space<vmem>>)
      tpu.yield
    }) : () -> ()
    %scan3A_203 = arith.constant 0 : i32
    %scan3A_204 = arith.constant 0 : i32
    %scan3A_205 = arith.constant 512 : i32
    %scan3A_206 = arith.addi %scan3A_204, %scan3A_205 : i32
    %scan3A_207 = arith.constant 1 : i32
    scf.for %scan3A_211 = %scan3A_204 to %scan3A_206 step %scan3A_207  : i32 {
      %add3A_212 = vector.broadcast %scan3A_211 : i32 to vector<16xi32>
      %add3A_213 = arith.addi %mul3A_5, %add3A_212 : vector<16xi32>
      %gather3A = tpu.vector_load_idx %arg15[%add3A_213] : memref<8192xf32, #tpu.memory_space<vmem>>[vector<16xi32>], vector<16xf32>,
      %get3A = arith.index_cast %scan3A_211 : i32 to index
      %get3A_214 = arith.constant 0 : index
      %get3A_215 = tpu.vector_load %arg17[%get3A, %get3A_214] {strides = array<i32>} : memref<512x16xf32, #tpu.memory_space<vmem>>, vector<16xf32>,
      %mul3A_216 = arith.mulf %gather3A, %get3A_215 : vector<16xf32>
      %swap3A = arith.index_cast %scan3A_211 : i32 to index
      %swap3A_217 = arith.constant 0 : index
      %swap3A_218 = tpu.vector_load %arg18[%swap3A, %swap3A_217] {strides = array<i32>} : memref<512x16xf32, #tpu.memory_space<vmem>>, vector<16xf32>,
      tpu.vector_store %arg18[%swap3A, %swap3A_217], %mul3A_216 {strides = array<i32>} : memref<512x16xf32, #tpu.memory_space<vmem>>, vector<16xf32>,
    }
    %scan3A_208 = arith.constant 512 : i32
    %add3A_209 = arith.constant 0 : i32
    %add3A_210 = arith.addi %mul3A_2, %add3A_209 : i32
    "tpu.region"() ({
      %run_scoped3A = tpu.sem_alloc : memref<!tpu.dma_semaphore, #tpu.memory_space<semaphore_mem>>
      %dma_start3A_211 = arith.constant 0 : i32
      %dma_start3A_212 = tpu.memref_slice %arg12[%add3A_210, %dma_start3A_211] : memref<16384x16xf32, #tpu.memory_space<hbm>> -> memref<512x16xf32, #tpu.memory_space<hbm>>
      %dma_start3A_213 = arith.constant 0 : i32
      %dma_start3A_214 = tpu.memref_slice %arg12[%add3A_210, %dma_start3A_213] : memref<16384x16xf32, #tpu.memory_space<hbm>> -> memref<512x16xf32, #tpu.memory_space<hbm>>
      tpu.enqueue_dma source(%arg18 : memref<512x16xf32, #tpu.memory_space<vmem>>) target(%dma_start3A_214 : memref<512x16xf32, #tpu.memory_space<hbm>>) target_semaphore(%run_scoped3A : memref<!tpu.dma_semaphore, #tpu.memory_space<semaphore_mem>>)
      %dma_wait3A_215 = arith.constant 0 : i32
      %dma_wait3A_216 = tpu.memref_slice %arg12[%add3A_210, %dma_wait3A_215] : memref<16384x16xf32, #tpu.memory_space<hbm>> -> memref<512x16xf32, #tpu.memory_space<hbm>>
      %dma_wait3A_217 = arith.constant 0 : i32
      %dma_wait3A_218 = tpu.memref_slice %arg12[%add3A_210, %dma_wait3A_217] : memref<16384x16xf32, #tpu.memory_space<hbm>> -> memref<512x16xf32, #tpu.memory_space<hbm>>
      tpu.wait_dma2 semaphore(%run_scoped3A : memref<!tpu.dma_semaphore, #tpu.memory_space<semaphore_mem>>) src(%arg18 : memref<512x16xf32, #tpu.memory_space<vmem>>) dst(%dma_wait3A_218 : memref<512x16xf32, #tpu.memory_space<hbm>>)
      tpu.yield
    }) : () -> ()
    return
  }
}

module attributes {stable_mosaic.version = 14 : i64} {
  func.func @_repack_body(%arg0: i32, %arg1: i32, %arg2: memref<8x131072xf32, #tpu.memory_space<vmem>>, %arg3: memref<131072xf32, #tpu.memory_space<vmem>>, %arg4: memref<131072xf32, #tpu.memory_space<vmem>>, %arg5: memref<131072xf32, #tpu.memory_space<vmem>>, %arg6: memref<131072xf32, #tpu.memory_space<vmem>>, %arg7: memref<131072xf32, #tpu.memory_space<vmem>>, %arg8: memref<131072xf32, #tpu.memory_space<vmem>>, %arg9: memref<131072xf32, #tpu.memory_space<vmem>>, %arg10: memref<131072xf32, #tpu.memory_space<vmem>>) attributes {dimension_semantics = [#tpu.dimension_semantics<arbitrary>, #tpu.dimension_semantics<arbitrary>], iteration_bounds = array<i64: 2, 8>, scalar_prefetch = 0 : i64, scratch_operands = 0 : i64, tpu.core_type = #tpu.core_type<tc>, window_params = [{transform_indices = @transform_0, window_bounds = array<i64: 8, 131072>}, {transform_indices = @transform_1, window_bounds = array<i64: 131072>}, {transform_indices = @transform_2, window_bounds = array<i64: 131072>}, {transform_indices = @transform_3, window_bounds = array<i64: 131072>}, {transform_indices = @transform_4, window_bounds = array<i64: 131072>}, {transform_indices = @transform_5, window_bounds = array<i64: 131072>}, {transform_indices = @transform_6, window_bounds = array<i64: 131072>}, {transform_indices = @transform_7, window_bounds = array<i64: 131072>}, {transform_indices = @transform_8, window_bounds = array<i64: 131072>}]} {
    %get3A = arith.constant 0 : index
    %get3A_0 = arith.constant 0 : index
    %get3A_1 = vector.load %arg2[%get3A, %get3A_0] : memref<8x131072xf32, #tpu.memory_space<vmem>>, vector<1x131072xf32>
    %get3A_2 = vector.shape_cast %get3A_1 : vector<1x131072xf32> to vector<131072xf32>
    %swap3A = arith.constant 0 : index
    %swap3A_3 = vector.load %arg3[%swap3A] : memref<131072xf32, #tpu.memory_space<vmem>>, vector<131072xf32>
    tpu.vector_store %arg3[%swap3A], %get3A_2 {strides = array<i32>} : memref<131072xf32, #tpu.memory_space<vmem>>, vector<131072xf32>,
    %get3A_4 = arith.constant 1 : index
    %get3A_5 = arith.constant 0 : index
    %get3A_6 = vector.load %arg2[%get3A_4, %get3A_5] : memref<8x131072xf32, #tpu.memory_space<vmem>>, vector<1x131072xf32>
    %get3A_7 = vector.shape_cast %get3A_6 : vector<1x131072xf32> to vector<131072xf32>
    %swap3A_8 = arith.constant 0 : index
    %swap3A_9 = vector.load %arg4[%swap3A_8] : memref<131072xf32, #tpu.memory_space<vmem>>, vector<131072xf32>
    tpu.vector_store %arg4[%swap3A_8], %get3A_7 {strides = array<i32>} : memref<131072xf32, #tpu.memory_space<vmem>>, vector<131072xf32>,
    %get3A_10 = arith.constant 2 : index
    %get3A_11 = arith.constant 0 : index
    %get3A_12 = vector.load %arg2[%get3A_10, %get3A_11] : memref<8x131072xf32, #tpu.memory_space<vmem>>, vector<1x131072xf32>
    %get3A_13 = vector.shape_cast %get3A_12 : vector<1x131072xf32> to vector<131072xf32>
    %swap3A_14 = arith.constant 0 : index
    %swap3A_15 = vector.load %arg5[%swap3A_14] : memref<131072xf32, #tpu.memory_space<vmem>>, vector<131072xf32>
    tpu.vector_store %arg5[%swap3A_14], %get3A_13 {strides = array<i32>} : memref<131072xf32, #tpu.memory_space<vmem>>, vector<131072xf32>,
    %get3A_16 = arith.constant 3 : index
    %get3A_17 = arith.constant 0 : index
    %get3A_18 = vector.load %arg2[%get3A_16, %get3A_17] : memref<8x131072xf32, #tpu.memory_space<vmem>>, vector<1x131072xf32>
    %get3A_19 = vector.shape_cast %get3A_18 : vector<1x131072xf32> to vector<131072xf32>
    %swap3A_20 = arith.constant 0 : index
    %swap3A_21 = vector.load %arg6[%swap3A_20] : memref<131072xf32, #tpu.memory_space<vmem>>, vector<131072xf32>
    tpu.vector_store %arg6[%swap3A_20], %get3A_19 {strides = array<i32>} : memref<131072xf32, #tpu.memory_space<vmem>>, vector<131072xf32>,
    %get3A_22 = arith.constant 4 : index
    %get3A_23 = arith.constant 0 : index
    %get3A_24 = vector.load %arg2[%get3A_22, %get3A_23] : memref<8x131072xf32, #tpu.memory_space<vmem>>, vector<1x131072xf32>
    %get3A_25 = vector.shape_cast %get3A_24 : vector<1x131072xf32> to vector<131072xf32>
    %swap3A_26 = arith.constant 0 : index
    %swap3A_27 = vector.load %arg7[%swap3A_26] : memref<131072xf32, #tpu.memory_space<vmem>>, vector<131072xf32>
    tpu.vector_store %arg7[%swap3A_26], %get3A_25 {strides = array<i32>} : memref<131072xf32, #tpu.memory_space<vmem>>, vector<131072xf32>,
    %get3A_28 = arith.constant 5 : index
    %get3A_29 = arith.constant 0 : index
    %get3A_30 = vector.load %arg2[%get3A_28, %get3A_29] : memref<8x131072xf32, #tpu.memory_space<vmem>>, vector<1x131072xf32>
    %get3A_31 = vector.shape_cast %get3A_30 : vector<1x131072xf32> to vector<131072xf32>
    %swap3A_32 = arith.constant 0 : index
    %swap3A_33 = vector.load %arg8[%swap3A_32] : memref<131072xf32, #tpu.memory_space<vmem>>, vector<131072xf32>
    tpu.vector_store %arg8[%swap3A_32], %get3A_31 {strides = array<i32>} : memref<131072xf32, #tpu.memory_space<vmem>>, vector<131072xf32>,
    %get3A_34 = arith.constant 6 : index
    %get3A_35 = arith.constant 0 : index
    %get3A_36 = vector.load %arg2[%get3A_34, %get3A_35] : memref<8x131072xf32, #tpu.memory_space<vmem>>, vector<1x131072xf32>
    %get3A_37 = vector.shape_cast %get3A_36 : vector<1x131072xf32> to vector<131072xf32>
    %swap3A_38 = arith.constant 0 : index
    %swap3A_39 = vector.load %arg9[%swap3A_38] : memref<131072xf32, #tpu.memory_space<vmem>>, vector<131072xf32>
    tpu.vector_store %arg9[%swap3A_38], %get3A_37 {strides = array<i32>} : memref<131072xf32, #tpu.memory_space<vmem>>, vector<131072xf32>,
    %get3A_40 = arith.constant 7 : index
    %get3A_41 = arith.constant 0 : index
    %get3A_42 = vector.load %arg2[%get3A_40, %get3A_41] : memref<8x131072xf32, #tpu.memory_space<vmem>>, vector<1x131072xf32>
    %get3A_43 = vector.shape_cast %get3A_42 : vector<1x131072xf32> to vector<131072xf32>
    %swap3A_44 = arith.constant 0 : index
    %swap3A_45 = vector.load %arg10[%swap3A_44] : memref<131072xf32, #tpu.memory_space<vmem>>, vector<131072xf32>
    tpu.vector_store %arg10[%swap3A_44], %get3A_43 {strides = array<i32>} : memref<131072xf32, #tpu.memory_space<vmem>>, vector<131072xf32>,
    return
  }
  func.func @transform_0(%arg0: i32, %arg1: i32) -> (i32, i32) {
    %c0_i32 = arith.constant 0 : i32
    return %arg0, %arg1 : i32, i32
  }
  func.func @transform_1(%arg0: i32, %arg1: i32) -> i32 {
    %mul3A = arith.constant 8 : i32
    %mul3A_0 = arith.muli %arg0, %mul3A : i32
    %add3A = arith.addi %mul3A_0, %arg1 : i32
    %c0_i32 = arith.constant 0 : i32
    return %add3A : i32
  }
  func.func @transform_2(%arg0: i32, %arg1: i32) -> i32 {
    %mul3A = arith.constant 8 : i32
    %mul3A_0 = arith.muli %arg0, %mul3A : i32
    %add3A = arith.addi %mul3A_0, %arg1 : i32
    %c0_i32 = arith.constant 0 : i32
    return %add3A : i32
  }
  func.func @transform_3(%arg0: i32, %arg1: i32) -> i32 {
    %mul3A = arith.constant 8 : i32
    %mul3A_0 = arith.muli %arg0, %mul3A : i32
    %add3A = arith.addi %mul3A_0, %arg1 : i32
    %c0_i32 = arith.constant 0 : i32
    return %add3A : i32
  }
  func.func @transform_4(%arg0: i32, %arg1: i32) -> i32 {
    %mul3A = arith.constant 8 : i32
    %mul3A_0 = arith.muli %arg0, %mul3A : i32
    %add3A = arith.addi %mul3A_0, %arg1 : i32
    %c0_i32 = arith.constant 0 : i32
    return %add3A : i32
  }
  func.func @transform_5(%arg0: i32, %arg1: i32) -> i32 {
    %mul3A = arith.constant 8 : i32
    %mul3A_0 = arith.muli %arg0, %mul3A : i32
    %add3A = arith.addi %mul3A_0, %arg1 : i32
    %c0_i32 = arith.constant 0 : i32
    return %add3A : i32
  }
  func.func @transform_6(%arg0: i32, %arg1: i32) -> i32 {
    %mul3A = arith.constant 8 : i32
    %mul3A_0 = arith.muli %arg0, %mul3A : i32
    %add3A = arith.addi %mul3A_0, %arg1 : i32
    %c0_i32 = arith.constant 0 : i32
    return %add3A : i32
  }
  func.func @transform_7(%arg0: i32, %arg1: i32) -> i32 {
    %mul3A = arith.constant 8 : i32
    %mul3A_0 = arith.muli %arg0, %mul3A : i32
    %add3A = arith.addi %mul3A_0, %arg1 : i32
    %c0_i32 = arith.constant 0 : i32
    return %add3A : i32
  }
  func.func @transform_8(%arg0: i32, %arg1: i32) -> i32 {
    %mul3A = arith.constant 8 : i32
    %mul3A_0 = arith.muli %arg0, %mul3A : i32
    %add3A = arith.addi %mul3A_0, %arg1 : i32
    %c0_i32 = arith.constant 0 : i32
    return %add3A : i32
  }
}

module attributes {stable_mosaic.version = 14 : i64} {
  func.func @_tc_body(%arg0: i32, %arg1: memref<2048x16xf32, #tpu.memory_space<vmem>>, %arg2: memref<2048x16xf32, #tpu.memory_space<vmem>>, %arg3: memref<2048x16xf32, #tpu.memory_space<vmem>>, %arg4: memref<32x32xf32, #tpu.memory_space<vmem>>, %arg5: memref<1x32xf32, #tpu.memory_space<vmem>>, %arg6: memref<32x16xf32, #tpu.memory_space<vmem>>, %arg7: memref<1x16xf32, #tpu.memory_space<vmem>>, %arg8: memref<16x1xf32, #tpu.memory_space<vmem>>, %arg9: memref<16x1xf32, #tpu.memory_space<vmem>>, %arg10: memref<1x1xf32, #tpu.memory_space<vmem>>, %arg11: memref<2048x1xf32, #tpu.memory_space<vmem>>) attributes {dimension_semantics = [#tpu.dimension_semantics<arbitrary>], iteration_bounds = array<i64: 8>, scalar_prefetch = 0 : i64, scratch_operands = 0 : i64, tpu.core_type = #tpu.core_type<tc>, window_params = [{transform_indices = @transform_0, window_bounds = array<i64: 2048, 16>}, {transform_indices = @transform_1, window_bounds = array<i64: 2048, 16>}, {transform_indices = @transform_2, window_bounds = array<i64: 2048, 16>}, {pipeline_mode = #tpu.pipeline_mode<synchronous>, transform_indices = @transform_3, window_bounds = array<i64: 32, 32>}, {pipeline_mode = #tpu.pipeline_mode<synchronous>, transform_indices = @transform_4, window_bounds = array<i64: 1, 32>}, {pipeline_mode = #tpu.pipeline_mode<synchronous>, transform_indices = @transform_5, window_bounds = array<i64: 32, 16>}, {pipeline_mode = #tpu.pipeline_mode<synchronous>, transform_indices = @transform_6, window_bounds = array<i64: 1, 16>}, {pipeline_mode = #tpu.pipeline_mode<synchronous>, transform_indices = @transform_7, window_bounds = array<i64: 16, 1>}, {pipeline_mode = #tpu.pipeline_mode<synchronous>, transform_indices = @transform_8, window_bounds = array<i64: 16, 1>}, {pipeline_mode = #tpu.pipeline_mode<synchronous>, transform_indices = @transform_9, window_bounds = array<i64: 1, 1>}, {transform_indices = @transform_10, window_bounds = array<i64: 2048, 1>}]} {
    %get3A = arith.constant 0 : index
    %get3A_0 = arith.constant 0 : index
    %get3A_1 = vector.load %arg2[%get3A, %get3A_0] : memref<2048x16xf32, #tpu.memory_space<vmem>>, vector<2048x16xf32>
    %get3A_2 = arith.constant 0 : index
    %get3A_3 = arith.constant 0 : index
    %get3A_4 = vector.load %arg3[%get3A_2, %get3A_3] : memref<2048x16xf32, #tpu.memory_space<vmem>>, vector<2048x16xf32>
    %concatenate3A = tpu.concatenate %get3A_1, %get3A_4 in 1 : vector<2048x16xf32>, vector<2048x16xf32> -> vector<2048x32xf32>
    %get3A_5 = arith.constant 0 : index
    %get3A_6 = arith.constant 0 : index
    %get3A_7 = vector.load %arg4[%get3A_5, %get3A_6] : memref<32x32xf32, #tpu.memory_space<vmem>>, vector<32x32xf32>
    %dot_general3A = arith.constant dense<0.000000e+00> : vector<2048x32xf32>
    %dot_general3A_8 = tpu.matmul %concatenate3A, %get3A_7, %dot_general3A {dimension_numbers = #tpu.dot_dimension_numbers<[1], [0], [0], [1], [0, 0, 1, 1], [], []>, transpose_lhs_hint = false} : vector<2048x32xf32>, vector<32x32xf32>, vector<2048x32xf32> -> vector<2048x32xf32>
    %get3A_9 = arith.constant 0 : index
    %get3A_10 = arith.constant 0 : index
    %get3A_11 = vector.load %arg5[%get3A_9, %get3A_10] : memref<1x32xf32, #tpu.memory_space<vmem>>, vector<1x32xf32>
    %add3A = vector.broadcast %get3A_11 : vector<1x32xf32> to vector<2048x32xf32>
    %add3A_12 = arith.addf %dot_general3A_8, %add3A : vector<2048x32xf32>
    %max3A = arith.constant 0.000000e+00 : f32
    %max3A_13 = vector.broadcast %max3A : f32 to vector<2048x32xf32>
    %max3A_14 = arith.maximumf %add3A_12, %max3A_13 : vector<2048x32xf32>
    %get3A_15 = arith.constant 0 : index
    %get3A_16 = arith.constant 0 : index
    %get3A_17 = vector.load %arg6[%get3A_15, %get3A_16] : memref<32x16xf32, #tpu.memory_space<vmem>>, vector<32x16xf32>
    %dot_general3A_18 = arith.constant dense<0.000000e+00> : vector<2048x16xf32>
    %dot_general3A_19 = tpu.matmul %max3A_14, %get3A_17, %dot_general3A_18 {dimension_numbers = #tpu.dot_dimension_numbers<[1], [0], [0], [1], [0, 0, 1, 1], [], []>, transpose_lhs_hint = false} : vector<2048x32xf32>, vector<32x16xf32>, vector<2048x16xf32> -> vector<2048x16xf32>
    %get3A_20 = arith.constant 0 : index
    %get3A_21 = arith.constant 0 : index
    %get3A_22 = vector.load %arg7[%get3A_20, %get3A_21] : memref<1x16xf32, #tpu.memory_space<vmem>>, vector<1x16xf32>
    %add3A_23 = vector.broadcast %get3A_22 : vector<1x16xf32> to vector<2048x16xf32>
    %add3A_24 = arith.addf %dot_general3A_19, %add3A_23 : vector<2048x16xf32>
    %max3A_25 = arith.constant 0.000000e+00 : f32
    %max3A_26 = vector.broadcast %max3A_25 : f32 to vector<2048x16xf32>
    %max3A_27 = arith.maximumf %add3A_24, %max3A_26 : vector<2048x16xf32>
    %get3A_28 = arith.constant 0 : index
    %get3A_29 = arith.constant 0 : index
    %get3A_30 = vector.load %arg1[%get3A_28, %get3A_29] : memref<2048x16xf32, #tpu.memory_space<vmem>>, vector<2048x16xf32>
    %get3A_31 = arith.constant 0 : index
    %get3A_32 = arith.constant 0 : index
    %get3A_33 = vector.load %arg8[%get3A_31, %get3A_32] : memref<16x1xf32, #tpu.memory_space<vmem>>, vector<16x1xf32>
    %dot_general3A_34 = arith.constant dense<0.000000e+00> : vector<2048x1xf32>
    %dot_general3A_35 = tpu.matmul %get3A_30, %get3A_33, %dot_general3A_34 {dimension_numbers = #tpu.dot_dimension_numbers<[1], [0], [0], [1], [0, 0, 1, 1], [], []>, transpose_lhs_hint = false} : vector<2048x16xf32>, vector<16x1xf32>, vector<2048x1xf32> -> vector<2048x1xf32>
    %get3A_36 = arith.constant 0 : index
    %get3A_37 = arith.constant 0 : index
    %get3A_38 = vector.load %arg9[%get3A_36, %get3A_37] : memref<16x1xf32, #tpu.memory_space<vmem>>, vector<16x1xf32>
    %dot_general3A_39 = arith.constant dense<0.000000e+00> : vector<2048x1xf32>
    %dot_general3A_40 = tpu.matmul %max3A_27, %get3A_38, %dot_general3A_39 {dimension_numbers = #tpu.dot_dimension_numbers<[1], [0], [0], [1], [0, 0, 1, 1], [], []>, transpose_lhs_hint = false} : vector<2048x16xf32>, vector<16x1xf32>, vector<2048x1xf32> -> vector<2048x1xf32>
    %add3A_41 = arith.addf %dot_general3A_35, %dot_general3A_40 : vector<2048x1xf32>
    %get3A_42 = arith.constant 0 : index
    %get3A_43 = arith.constant 0 : index
    %get3A_44 = vector.load %arg10[%get3A_42, %get3A_43] : memref<1x1xf32, #tpu.memory_space<vmem>>, vector<1x1xf32>
    %add3A_45 = vector.broadcast %get3A_44 : vector<1x1xf32> to vector<2048x1xf32>
    %add3A_46 = arith.addf %add3A_41, %add3A_45 : vector<2048x1xf32>
    %swap3A = arith.constant 0 : index
    %swap3A_47 = arith.constant 0 : index
    %swap3A_48 = vector.load %arg11[%swap3A, %swap3A_47] : memref<2048x1xf32, #tpu.memory_space<vmem>>, vector<2048x1xf32>
    tpu.vector_store %arg11[%swap3A, %swap3A_47], %add3A_46 {strides = array<i32>} : memref<2048x1xf32, #tpu.memory_space<vmem>>, vector<2048x1xf32>,
    return
  }
  func.func @transform_0(%arg0: i32) -> (i32, i32) {
    %c0_i32 = arith.constant 0 : i32
    %c0_i32_0 = arith.constant 0 : i32
    return %arg0, %c0_i32 : i32, i32
  }
  func.func @transform_1(%arg0: i32) -> (i32, i32) {
    %c0_i32 = arith.constant 0 : i32
    %c0_i32_0 = arith.constant 0 : i32
    return %arg0, %c0_i32 : i32, i32
  }
  func.func @transform_2(%arg0: i32) -> (i32, i32) {
    %c0_i32 = arith.constant 0 : i32
    %c0_i32_0 = arith.constant 0 : i32
    return %arg0, %c0_i32 : i32, i32
  }
  func.func @transform_3(%arg0: i32) -> (i32, i32) {
    %c0_i32 = arith.constant 0 : i32
    %c0_i32_0 = arith.constant 0 : i32
    %c0_i32_1 = arith.constant 0 : i32
    return %c0_i32, %c0_i32_0 : i32, i32
  }
  func.func @transform_4(%arg0: i32) -> (i32, i32) {
    %c0_i32 = arith.constant 0 : i32
    %c0_i32_0 = arith.constant 0 : i32
    %c0_i32_1 = arith.constant 0 : i32
    return %c0_i32, %c0_i32_0 : i32, i32
  }
  func.func @transform_5(%arg0: i32) -> (i32, i32) {
    %c0_i32 = arith.constant 0 : i32
    %c0_i32_0 = arith.constant 0 : i32
    %c0_i32_1 = arith.constant 0 : i32
    return %c0_i32, %c0_i32_0 : i32, i32
  }
  func.func @transform_6(%arg0: i32) -> (i32, i32) {
    %c0_i32 = arith.constant 0 : i32
    %c0_i32_0 = arith.constant 0 : i32
    %c0_i32_1 = arith.constant 0 : i32
    return %c0_i32, %c0_i32_0 : i32, i32
  }
  func.func @transform_7(%arg0: i32) -> (i32, i32) {
    %c0_i32 = arith.constant 0 : i32
    %c0_i32_0 = arith.constant 0 : i32
    %c0_i32_1 = arith.constant 0 : i32
    return %c0_i32, %c0_i32_0 : i32, i32
  }
  func.func @transform_8(%arg0: i32) -> (i32, i32) {
    %c0_i32 = arith.constant 0 : i32
    %c0_i32_0 = arith.constant 0 : i32
    %c0_i32_1 = arith.constant 0 : i32
    return %c0_i32, %c0_i32_0 : i32, i32
  }
  func.func @transform_9(%arg0: i32) -> (i32, i32) {
    %c0_i32 = arith.constant 0 : i32
    %c0_i32_0 = arith.constant 0 : i32
    %c0_i32_1 = arith.constant 0 : i32
    return %c0_i32, %c0_i32_0 : i32, i32
  }
  func.func @transform_10(%arg0: i32) -> (i32, i32) {
    %c0_i32 = arith.constant 0 : i32
    %c0_i32_0 = arith.constant 0 : i32
    return %arg0, %c0_i32 : i32, i32
  }
}

</mosaic_0001>

<sc_bundles>
// kernel: kernel.11.cloned.1.call-start
scs
__scs_entry_jumppad:
0x0: {  	(pc) =	sbr.rel $0x88, $3  }
0x1: {  	(tag) =	ssettag $0x0;
	lr =	simm.s32 $0x1  }
0x2: {  	[smem:$0x3F95] =	sst lr;
	_ =	strace $0xD0000000  }
0x3: {  	_ = 	snop  }
0x4: {  	_ = 	snop  }
0x5: {  	_ = 	snop  }
0x6: {  	_ = 	snop  }
0x7: {  	_ = 	snop  }
__scs_overlays_trampoline_lowered:
0x8: {  	[smem:$0x3FA4] =	sst s0  }
0x9: {  	[smem:$0x3FA5] =	sst s1  }
0xa: {  	[smem:$0x3FA6] =	sst s2  }
0xb: {  	[smem:$0x3FA7] =	sst s3  }
0xc: {  	[smem:$0x3FA8] =	sst s4  }
0xd: {  	[smem:$0x3FA9] =	sst s5  }
0xe: {  	[smem:$0x3FAA] =	sst s6  }
0xf: {  	[smem:$0x3FAB] =	sst s7  }
0x10: {  	[smem:$0x3FAC] =	sst s8  }
0x11: {  	[smem:$0x3FAD] =	sst s9;
	s0 =	simm.s32 @!p0 $0x0  }
0x12: {  	s1 =	sld [smem:$0x3F93];
	s0 =	simm.s32 @p0 $0x1  }
0x13: {  	[smem:$0x3FAE] =	sst s0;
	s0 =	simm.s32 @!p1 $0x0  }
0x14: {  	s2 =	sld [smem:$0x3F92];
	s0 =	simm.s32 @p1 $0x1  }
0x15: {  	[smem:$0x3FAF] =	sst s0;
	s0 =	simm.s32 @!p2 $0x0  }
0x16: {  	s3 =	sld [smem:$0x3FDB];
	s0 =	simm.s32 @p2 $0x1  }
0x17: {  	s4 =	simm.s32 $0x1BF5;
	[smem:$0x3FB1] =	sst s0  }
0x18: {  	s0 =	sld [smem:$0x3F94];
	_ =	swait.ge [sflag:s4], $0x0  }
0x19: {  	s7 =	sld [smem:$0x3F95]  }
0x1a: {  	s8 =	sadd.s32 $0xFFFFE003, lr  }
0x1b: {  	s9 =	sadd.s32 $0xFFFFFEF7, lr;
	s5 =	simm.s32 $0xFFFFFFFF;
	p2 =	slt.u32 s8, $0xFFFFF086  }
0x1c: {  	p1 =	slt.u32 s9, $0xF7A;
	s5 =	simm.s32 @!p2 $0x0  }
0x1d: {  	s5 =	simm.s32 @p1 $0x1;
	p0 =	seq.s32 s7, s2  }
0x1e: {  	s7 =	smul.u32 @!p0 $0xF7A, s2;
	p2 =	seq.s32 @!p0 s5, $0x0  }
0x1f: {  	s9 =	smul.u32 $0xF7A, s1;
	s8 =	simm.s32 @!p0 $0x1BF5;
	p2 =	por !p2, p0  }
0x20: {  	[sflag:s8] =	ssyncset.s32 @!p0 $0xFFFFF086;
	s6 =	sadd.s32 @!p0 s3, s7;
	s7 =	simm.s32 @!p0 $0x108  }
0x21: {  	s3 =	sadd.s32 s3, s9;
	s6 =	sadd.s32 @!p0 $0x88, s6;
	s7 =	simm.s32 @p2 $0x1082  }
0x22: {  	[simem:s7], [sflag:s8] =	dma.local @!p0 [hbm:s6], $0xF7A  }
0x23: {  	s9 =	sor.u32 $0xD0000000, s2;
	s6 =	simm.s32 $0x108;
	_ =	swait.ge @!p0 [sflag:s8], $0x0  }
0x24: {  	s3 =	sadd.s32 $0x88, s3;
	s6 =	simm.s32 @!p1 $0x1082;
	[sflag:s4] =	ssyncset.s32 $0xFFFFF086  }
0x25: {  	[simem:s6], [sflag:s4] =	dma.local [hbm:s3], $0xF7A  }
0x26: {  	[smem:$0x3F95] =	sst s1;
	(tag) =	ssettag s2;
	_ =	strace s9  }
0x27: {  	s1 =	sld [smem:$0x3FA5]  }
0x28: {  	s2 =	sld [smem:$0x3FA6]  }
0x29: {  	s4 =	sld [smem:$0x3FA8]  }
0x2a: {  	p0 =	seq.s32 s5, $0x0;
	s5 =	sld [smem:$0x3FA9]  }
0x2b: {  	s6 =	sld [smem:$0x3FAA]  }
0x2c: {  	s7 =	sld [smem:$0x3FAB]  }
0x2d: {  	s3 =	simm.s32 $0x108;
	s8 =	sld [smem:$0x3FAC]  }
0x2e: {  	s3 =	simm.s32 @!p0 $0x1082;
	s9 =	sld [smem:$0x3FAD]  }
0x2f: {  	lr =	sadd.s32 s0, s3;
	s0 =	sld [smem:$0x3FA4]  }
0x30: {  	s3 =	sld [smem:$0x3FA7]  }
0x31: {  	[smem:$0x3FB0] =	sst s10  }
0x32: {  	s10 =	sld [smem:$0x3FAE];
	_ =	sdelay $0x3  }
0x33: {  	p0 =	seq.s32 s10, $0x1;
	s10 =	sld [smem:$0x3FB0];
	_ =	sdelay $0x3  }
0x34: {  	[smem:$0x3FB0] =	sst s10  }
0x35: {  	s10 =	sld [smem:$0x3FAF];
	_ =	sdelay $0x3  }
0x36: {  	p1 =	seq.s32 s10, $0x1;
	s10 =	sld [smem:$0x3FB0];
	_ =	sdelay $0x3  }
0x37: {  	[smem:$0x3FB0] =	sst s10  }
0x38: {  	s10 =	sld [smem:$0x3FB1]  }
0x39: {  	_ = 	snop;
	(pc) =	sbr.ind lr, $3  }
0x3a: {  	_ = 	snop  }
0x3b: {  	_ = 	snop  }
0x3c: {  	p2 =	seq.s32 s10, $0x1;
	s10 =	sld [smem:$0x3FB0]  }
0x3d: {  	_ =	shalt  }
0x3e: {  	_ =	shalt  }
0x3f: {  	_ =	shalt  }
0x40: {  	_ =	shalt  }
0x41: {  	_ =	shalt  }
0x42: {  	_ =	shalt  }
0x43: {  	_ =	shalt  }
0x44: {  	_ =	shalt  }
0x45: {  	_ =	shalt  }
0x46: {  	_ =	shalt  }
0x47: {  	_ =	shalt  }
0x48: {  	_ =	shalt  }
0x49: {  	_ =	shalt  }
0x4a: {  	_ =	shalt  }
0x4b: {  	_ =	shalt  }
0x4c: {  	_ =	shalt  }
0x4d: {  	_ =	shalt  }
0x4e: {  	_ =	shalt  }
0x4f: {  	_ =	shalt  }
0x50: {  	_ =	shalt  }
0x51: {  	_ =	shalt  }
0x52: {  	_ =	shalt  }
0x53: {  	_ =	shalt  }
0x54: {  	_ =	shalt  }
0x55: {  	_ =	shalt  }
0x56: {  	_ =	shalt  }
0x57: {  	_ =	shalt  }
0x58: {  	_ =	shalt  }
0x59: {  	_ =	shalt  }
0x5a: {  	_ =	shalt  }
0x5b: {  	_ =	shalt  }
0x5c: {  	_ =	shalt  }
0x5d: {  	_ =	shalt  }
0x5e: {  	_ =	shalt  }
0x5f: {  	_ =	shalt  }
0x60: {  	_ =	shalt  }
0x61: {  	_ =	shalt  }
0x62: {  	_ =	shalt  }
0x63: {  	_ =	shalt  }
0x64: {  	_ =	shalt  }
0x65: {  	_ =	shalt  }
0x66: {  	_ =	shalt  }
0x67: {  	_ =	shalt  }
0x68: {  	_ =	shalt  }
0x69: {  	_ =	shalt  }
0x6a: {  	_ =	shalt  }
0x6b: {  	_ =	shalt  }
0x6c: {  	_ =	shalt  }
0x6d: {  	_ =	shalt  }
0x6e: {  	_ =	shalt  }
0x6f: {  	_ =	shalt  }
0x70: {  	_ =	shalt  }
0x71: {  	_ =	shalt  }
0x72: {  	_ =	shalt  }
0x73: {  	_ =	shalt  }
0x74: {  	_ =	shalt  }
0x75: {  	_ =	shalt  }
0x76: {  	_ =	shalt  }
0x77: {  	_ =	shalt  }
0x78: {  	_ =	shalt  }
0x79: {  	_ =	shalt  }
0x7a: {  	_ =	shalt  }
0x7b: {  	_ =	shalt  }
0x7c: {  	_ =	shalt  }
0x7d: {  	_ =	shalt  }
0x7e: {  	_ =	shalt  }
0x7f: {  	_ =	shalt  }
0x80: {  	_ =	shalt  }
0x81: {  	_ =	shalt  }
0x82: {  	_ =	shalt  }
0x83: {  	_ =	shalt  }
0x84: {  	_ =	shalt  }
0x85: {  	_ =	shalt  }
0x86: {  	_ =	shalt  }
0x87: {  	_ =	shalt  }
.Lfunc_end0:
.L_simem_size_0:
called_computation.1_lowered:
.L_overlay_start_0:
0x88: {  	s2 =	sld [smem:$0x3FD9]  }
0x89: {  	s3 =	sld [smem:$0x3FFE];
	_ =	sdelay $0x1  }
0x8a: {  	s1 =	srdreg.scid  }
0x8b: {  	s0 =	sand.u32 $0x1, s1  }
0x8c: {  	s17 =	sshll.u32 s0, $0xA;
	s2 =	sadd.s32 s3, s2  }
0x8d: {  	s2 =	sadd.s32 s2, s17  }
0x8e: {  	[smem:$0x3FBC] =	sst s2  }
0x8f: {  	_ = 	snop  }
0x90: {  	s18 =	sld [smem:$0x3FC9];
	(tm) =	ssettm $0x1  }
0x91: {  	s19 =	sld [smem:$0x3FFB];
	_ =	sdelay $0x3  }
0x92: {  	_ =	strace s19  }
0x93: {  	s2 =	sld [smem:$0x3FFC];
	_ =	sdelay $0x3  }
0x94: {  	_ =	strace s2  }
0x95: {  	s2 =	sld [smem:$0x3FFD];
	_ =	sdelay $0x3  }
0x96: {  	_ =	strace s2  }
0x97: {  	_ =	strace $0x8FFFFFFF  }
0x98: {  	s20 =	sld [smem:$0x3FDB];
	_ =	sdelay $0x1  }
0x99: {  	s4 =	simm.s32 $_scs_section_size  }
0x9a: {  	s5 =	simm.s32 $_size__tile_overlayer_lowered;
	s6 =	simm.s32 $_tile_overlayer_lowered  }
0x9b: {  	s7 =	simm.s32 $0x1BFF;
	s21 =	sshll.u32 s6, $0x1;
	s4 =	sadd.s32 s4, s20  }
0x9c: {  	s22 =	simm.s32 $0x0;
	s5 =	sshll.u32 s5, $0x1;
	s6 =	sadd.s32 s21, s4  }
0x9d: {  	[timem:s22], [sflag:s7] =	dma.local [hbm:s6], s5  }
0x9e: {  	_ =	swait.ge [sflag:s7], s5  }
0x9f: {  	s5 =	ssub.s32 $0x0, s5;
	[sflag:s7] =	ssyncset.done $0x0  }
0xa0: {  	[sflag:s7] =	ssyncadd.s32 s5;
	_ =	sdelay $0x1  }
0xa1: {  	s23 =	simm.s32 $0x1B8B  }
0xa2: {  	_ =	swait.ge [sflag:s23], $0x1  }
0xa3: {  	[sflag:s23] =	ssyncset.done $0x0  }
0xa4: {  	[sflag:s23] =	ssyncadd.s32 $0xFFFFFFFF  }
0xa5: {  	s5 =	sld [smem:$0x0]  }
0xa6: {  	s6 =	sand.u32 $0xFFFFFFFE, s1  }
0xa7: {  	p0 =	sne.s32 s1, s6  }
0xa8: {  	s6 =	sshll.u32 @p0 s6, $0xE  }
0xa9: {  	s6 =	sadd.s32 @p0 $0x11B8D, s6;
	s7 =	sshll.u32 @p0 s5, $0x11  }
0xaa: {  	s6 =	sor.u32 @p0 s7, s6  }
0xab: {  	[sflag:s6] =	ssyncadd.remote.s32 @p0 $0x1;
	_ =	sdelay $0x1  }
0xac: {  	s6 =	simm.s32 @p0 $0x1B8D  }
0xad: {  	_ =	swait.eq @p0 [sflag:s6], $0x1  }
0xae: {  	[sflag:s6] =	ssyncadd.s32 @p0 $0xFFFFFFFF  }
0xaf: {  	s7 =	sshll.u32 @!p0 s1, $0xE  }
0xb0: {  	s7 =	sor.u32 @!p0 $0x4000, s7;
	s6 =	simm.s32 @!p0 $0x1B8D  }
0xb1: {  	s5 =	sshll.u32 @!p0 s5, $0x11;
	s7 =	sadd.s32 @!p0 $0x11B8D, s7;
	_ =	swait.eq @!p0 [sflag:s6], $0x1  }
0xb2: {  	s5 =	sor.u32 @!p0 s5, s7;
	[sflag:s6] =	ssyncadd.s32 @!p0 $0xFFFFFFFF  }
0xb3: {  	s25 =	simm.s32 $0x1B8E;
	s24 =	sld [smem:$0x3FFE];
	[sflag:s5] =	ssyncadd.remote.s32 @!p0 $0x1  }
0xb4: {  	s26 =	simm.s32 $execute0_lowered;
	[smem:$0x3FD2] =	sst s25  }
0xb5: {  	s6 =	sshll.u32 s26, $0x1;
	_ =	strace $0x8000004C;
	[dreg:$0x1] =	wrdreg $0xFFFFFFFF  }
0xb6: {  	s28 =	simm.s32 $_size_execute0_lowered;
	s4 =	sadd.s32 s4, s6;
	[dreg:$0x0] =	wrdreg $0x0  }
0xb7: {  	s6 =	sshll.u32 s28, $0x1;
	[dreg:$0x2] =	wrdreg s4  }
0xb8: {  	[dreg:$0x3] =	wrdreg s6  }
0xb9: {  	[dreg:$0x4] =	wrdreg $0xC0  }
0xba: {  	_ =	task [dreg:s22], $0x5FFFF  }
0xbb: {  	[dreg:$0x1] =	wrdreg $0xFFFFFFFF  }
0xbc: {  	[dreg:$0x0] =	wrdreg $0x60  }
0xbd: {  	[dreg:$0x2] =	wrdreg s18  }
0xbe: {  	[dreg:$0x3] =	wrdreg s24  }
0xbf: {  	[dreg:$0x4] =	wrdreg $0xA  }
0xc0: {  	_ =	task.clear_ibuf [dreg:s22], $0x5FFFF;
	_ =	strace $0x9000004C  }
0xc1: {  	s29 =	simm.s32 $0xA;
	_ =	strace $0x8000004E  }
0xc2: {  	_ =	swait.ge [sflag:s29], $0x1  }
0xc3: {  	[sflag:s29] =	ssyncadd.s32 $0xFFFFFFFF  }
0xc4: {  	_ =	strace $0x9000004E  }
0xc5: {  	_ =	sfence  }
0xc6: {  	s30 =	sld [smem:$0x0];
	_ =	sdelay $0x2  }
0xc7: {  	s31 =	sshll.u32 s1, $0xD;
	s1 =	sshrl.u32 s1, $0x2  }
0xc8: {  	s4 =	sand.u32 $0x4000, s31;
	s1 =	sadd.s32 s1, s30  }
0xc9: {  	s0 =	sor.u32 s4, s0;
	s1 =	sshll.u32 s1, $0x11  }
0xca: {  	s0 =	sor.u32 s1, s0  }
0xcb: {  	s0 =	sadd.s32 $0x8F2B, s0  }
0xcc: {  	[sflag:s0] =	ssyncadd.remote.s32 $0x1  }
0xcd: {  	_ =	sfence.sel $0xFFFF  }
0xce: {  	[dreg:$0x0] =	wrdreg $0xFFFFFFFF;
	(pc) =	sbr.abs _section_cstart, $3  }
0xcf: {  	[dreg:$0x1] =	wrdreg $0xFFFFFFFF  }
0xd0: {  	_ =	task.clear_ibuf [dreg:s22], $0x2FFFF;
	_ =	strace $0x9FFFFFFF  }
0xd1: {  	(tm) =	ssettm $0x7FFFFFFF  }
tec
execute0_lowered:
.L_overlay_start_1:
0x0: {  	(tag) =	ssettag $0x1  }
0x1: {  	s0 =	rddreg [dreg:$0x0]  }
0x2: {  	s5 =	rddreg [dreg:$0x1]  }
0x3: {  	s1 =	simm.s32 $0x0;
	s9 =	srdreg.scid;
	s10 =	stileid.u32  }
0x4: {  	s15 =	simm.s32 $0x2;
	s16 =	simm.s32 $0x200;
	s17 =	simm.s32 $0x400  }
0x5: {  	s24 =	simm.s32 $0x1A00;
	s25 =	simm.s32 $0xC00;
	s26 =	simm.s32 $0x1C00  }
0x6: {  	s28 =	simm.s32 $0xE00;
	s29 =	simm.s32 $0x1E00;
	s30 =	simm.s32 $0x1000  }
0x7: {  	s31 =	simm.s32 $0x2000;
	s19 =	simm.s32 $0x4400;
	[smem:$0x7FF] =	sst s1  }
0x8: {  	s18 =	simm.s32 $0x1;
	s2 =	sadd.s32 $0x3FCA00, s5;
	s3 =	sadd.s32 $0x43CA00, s5  }
0x9: {  	s20 =	simm.s32 $0x0;
	s4 =	sadd.s32 $0x27CA00, s5;
	s6 =	sadd.s32 $0x2BCA00, s5  }
0xa: {  	s7 =	sadd.s32 $0x2FCA00, s5;
	s8 =	sadd.s32 $0x33CA00, s5;
	s11 =	sand.u32 $0x1, s9  }
0xb: {  	s9 =	sadd.s32 $0x37CA00, s5;
	s12 =	sshll.u32 s10, $0xA;
	s13 =	sshll.u32 s11, $0x9  }
0xc: {  	s10 =	sadd.s32 $0x3BCA00, s5;
	s11 =	ssub.s32 $0x2, s11;
	s12 =	sor.u32 s13, s12  }
0xd: {  	_ =	strace $0x8000004D;
	s14 =	sshrl.u32 s11, $0x1;
	s13 =	sshll.u32 s12, $0x1  }
0xe: {  	s12 =	sshrl.u32 s12, $0x3;
	s14 =	ssub.s32 s11, s14;
	s5 =	sadd.s32 s13, s5  }
0xf: {  	v0 =	vlaneseq.u32;
	s11 =	sadd.s32 s0, s12;
	s14 =	smax.u32 s14, $0x1;
	s0 =	simm.s32 $0x1200  }
0x10: {  	v0 =	vmul.u32 $0x200, v0;
	s12 =	sadd.s32 $0x6CA00, s5;
	s13 =	sadd.s32 $0x2E00, s5;
	s5 =	simm.s32 $0x2200  }
.LBB2_1:
0x11: {  	[tilespmem:s1], [sflag:$0x2] =	stream.linear.gather [hbm4b:s11+s1], $0x200, $0x38;
	[tilespmem:$0x6400] =	vst v63  }
0x12: {  	_ =	swait.ge [sflag:s15], $0x200  }
0x13: {  	[sflag:s15] =	ssyncset.done $0x0  }
0x14: {  	s21 =	simm.s32 $0x0;
	[sflag:s15] =	ssyncadd.s32 $0xFFFFFE00  }
0x15: {  	s22 =	simm.s32 $0x40;
	v1 =	vld [tilespmem:s21+$0x0]  }
.LBB2_2:
0x16: {  	p0 =	sne.s32 s22, $0x7C0  }
.Ltmp0:
0x17: {  	_ = 	snop;
	(pc) =	sbr.rel @p0 .LBB2_2-.Ltmp0, $3  }
0x18: {  	_ =	sdelay $0x1  }
0x19: {  	s23 =	sshra.s32 s22, $0x2;
	s22 =	sadd.s32 $0x40, s22;
	v2 =	vadd.s32 $0x100000, v1  }
0x1a: {  	v1 =	vld [tilespmem:s23+$0x0];
	[tilespmem:s21+$0x200] =	vst v2;
	s21 =	smov.u32 s23  }
0x1b: {  	_ =	sdelay $0x3  }
0x1c: {  	v1 =	vadd.s32 $0x100000, v1  }
0x1d: {  	[tilespmem:s21+$0x200] =	vst v1;
	s21 =	simm.s32 $0x0  }
0x1e: {  	[tilespmem:s17], [sflag:$0x1] =	stream.indirect.gather [hbm4b:s2+s16], $0x1, s21, s16, $0xb8;
	[tilespmem:$0x6400] =	vst v63  }
0x1f: {  	s22 =	simm.s32 $0x1400  }
0x20: {  	[tilespmem:s22], [sflag:$0x1] =	stream.indirect.gather [hbm4b:s2+s16], $0x1, s16, s16, $0xb8;
	[tilespmem:$0x6400] =	vst v63  }
0x21: {  	s23 =	simm.s32 $0x600  }
0x22: {  	[tilespmem:s23], [sflag:$0x1] =	stream.indirect.gather [hbm4b:s3+s16], $0x1, s21, s16, $0xb8;
	[tilespmem:$0x6400] =	vst v63  }
0x23: {  	s23 =	simm.s32 $0x1600  }
0x24: {  	[tilespmem:s23], [sflag:$0x1] =	stream.indirect.gather [hbm4b:s3+s16], $0x1, s16, s16, $0xb8;
	[tilespmem:$0x6400] =	vst v63  }
0x25: {  	s23 =	simm.s32 $0x800  }
0x26: {  	[tilespmem:s23], [sflag:$0x1] =	stream.indirect.gather [hbm4b:s4+s16], $0x1, s21, s16, $0xb8;
	[tilespmem:$0x6400] =	vst v63  }
0x27: {  	s23 =	simm.s32 $0x1800  }
0x28: {  	[tilespmem:s23], [sflag:$0x1] =	stream.indirect.gather [hbm4b:s4+s16], $0x1, s16, s16, $0xb8;
	[tilespmem:$0x6400] =	vst v63  }
0x29: {  	s23 =	simm.s32 $0xA00  }
0x2a: {  	[tilespmem:s23], [sflag:$0x1] =	stream.indirect.gather [hbm4b:s6+s16], $0x1, s21, s16, $0xb8;
	[tilespmem:$0x6400] =	vst v63  }
0x2b: {  	_ = 	snop  }
0x2c: {  	[tilespmem:s24], [sflag:$0x1] =	stream.indirect.gather [hbm4b:s6+s16], $0x1, s16, s16, $0xb8;
	[tilespmem:$0x6400] =	vst v63  }
0x2d: {  	_ = 	snop  }
0x2e: {  	[tilespmem:s25], [sflag:$0x1] =	stream.indirect.gather [hbm4b:s7+s16], $0x1, s21, s16, $0xb8;
	[tilespmem:$0x6400] =	vst v63  }
0x2f: {  	_ = 	snop  }
0x30: {  	[tilespmem:s26], [sflag:$0x1] =	stream.indirect.gather [hbm4b:s7+s16], $0x1, s16, s16, $0xb8;
	[tilespmem:$0x6400] =	vst v63  }
0x31: {  	_ = 	snop  }
0x32: {  	[tilespmem:s28], [sflag:$0x1] =	stream.indirect.gather [hbm4b:s8+s16], $0x1, s21, s16, $0xb8;
	[tilespmem:$0x6400] =	vst v63  }
0x33: {  	_ = 	snop  }
0x34: {  	[tilespmem:s29], [sflag:$0x1] =	stream.indirect.gather [hbm4b:s8+s16], $0x1, s16, s16, $0xb8;
	[tilespmem:$0x6400] =	vst v63  }
0x35: {  	_ = 	snop  }
0x36: {  	[tilespmem:s30], [sflag:$0x1] =	stream.indirect.gather [hbm4b:s9+s16], $0x1, s21, s16, $0xb8;
	[tilespmem:$0x6400] =	vst v63  }
0x37: {  	_ = 	snop  }
0x38: {  	[tilespmem:s31], [sflag:$0x1] =	stream.indirect.gather [hbm4b:s9+s16], $0x1, s16, s16, $0xb8;
	[tilespmem:$0x6400] =	vst v63  }
0x39: {  	_ = 	snop  }
0x3a: {  	[tilespmem:s0], [sflag:$0x1] =	stream.indirect.gather [hbm4b:s10+s16], $0x1, s21, s16, $0xb8;
	[tilespmem:$0x6400] =	vst v63  }
0x3b: {  	_ = 	snop  }
0x3c: {  	[tilespmem:s5], [sflag:$0x1] =	stream.indirect.gather [hbm4b:s10+s16], $0x1, s16, s16, $0xb8;
	[tilespmem:$0x6400] =	vst v63  }
0x3d: {  	_ =	swait.ge [sflag:s18], $0x200  }
0x3e: {  	[sflag:s18] =	ssyncset.done $0x0  }
0x3f: {  	[sflag:s18] =	ssyncadd.s32 $0xFFFFFE00  }
0x40: {  	_ =	swait.ge [sflag:s18], $0x200  }
0x41: {  	[sflag:s18] =	ssyncset.done $0x0  }
0x42: {  	[sflag:s18] =	ssyncadd.s32 $0xFFFFFE00  }
0x43: {  	_ =	swait.ge [sflag:s18], $0x200  }
0x44: {  	[sflag:s18] =	ssyncset.done $0x0  }
0x45: {  	[sflag:s18] =	ssyncadd.s32 $0xFFFFFE00  }
0x46: {  	_ =	swait.ge [sflag:s18], $0x200  }
0x47: {  	[sflag:s18] =	ssyncset.done $0x0  }
0x48: {  	[sflag:s18] =	ssyncadd.s32 $0xFFFFFE00  }
0x49: {  	_ =	swait.ge [sflag:s18], $0x200  }
0x4a: {  	[sflag:s18] =	ssyncset.done $0x0  }
0x4b: {  	[sflag:s18] =	ssyncadd.s32 $0xFFFFFE00  }
0x4c: {  	_ =	swait.ge [sflag:s18], $0x200  }
0x4d: {  	[sflag:s18] =	ssyncset.done $0x0  }
0x4e: {  	[sflag:s18] =	ssyncadd.s32 $0xFFFFFE00  }
0x4f: {  	_ =	swait.ge [sflag:s18], $0x200  }
0x50: {  	[sflag:s18] =	ssyncset.done $0x0  }
0x51: {  	[sflag:s18] =	ssyncadd.s32 $0xFFFFFE00  }
0x52: {  	_ =	swait.ge [sflag:s18], $0x200  }
0x53: {  	[sflag:s18] =	ssyncset.done $0x0  }
0x54: {  	[sflag:s18] =	ssyncadd.s32 $0xFFFFFE00  }
0x55: {  	_ =	swait.ge [sflag:s18], $0x200  }
0x56: {  	[sflag:s18] =	ssyncset.done $0x0  }
0x57: {  	[sflag:s18] =	ssyncadd.s32 $0xFFFFFE00  }
0x58: {  	_ =	swait.ge [sflag:s18], $0x200  }
0x59: {  	[sflag:s18] =	ssyncset.done $0x0  }
0x5a: {  	[sflag:s18] =	ssyncadd.s32 $0xFFFFFE00  }
0x5b: {  	_ =	swait.ge [sflag:s18], $0x200  }
0x5c: {  	[sflag:s18] =	ssyncset.done $0x0  }
0x5d: {  	[sflag:s18] =	ssyncadd.s32 $0xFFFFFE00  }
0x5e: {  	_ =	swait.ge [sflag:s18], $0x200  }
0x5f: {  	[sflag:s18] =	ssyncset.done $0x0  }
0x60: {  	[sflag:s18] =	ssyncadd.s32 $0xFFFFFE00  }
0x61: {  	_ =	swait.ge [sflag:s18], $0x200  }
0x62: {  	[sflag:s18] =	ssyncset.done $0x0  }
0x63: {  	[sflag:s18] =	ssyncadd.s32 $0xFFFFFE00  }
0x64: {  	_ =	swait.ge [sflag:s18], $0x200  }
0x65: {  	[sflag:s18] =	ssyncset.done $0x0  }
0x66: {  	[sflag:s18] =	ssyncadd.s32 $0xFFFFFE00  }
0x67: {  	_ =	swait.ge [sflag:s18], $0x200  }
0x68: {  	[sflag:s18] =	ssyncset.done $0x0  }
0x69: {  	[sflag:s18] =	ssyncadd.s32 $0xFFFFFE00  }
0x6a: {  	_ =	swait.ge [sflag:s18], $0x200  }
0x6b: {  	[sflag:s18] =	ssyncset.done $0x0  }
0x6c: {  	v1 =	vor.u32 s21, v0;
	s23 =	simm.s32 $0x2400;
	[sflag:s18] =	ssyncadd.s32 $0xFFFFFE00  }
0x6d: {  	[tilespmem:s23], [sflag:$0x2] =	stream.linear.gather [hbm4b:s12+s21], $0x2000, $0x38;
	[tilespmem:$0x6400] =	vst v63  }
0x6e: {  	_ =	swait.ge [sflag:s15], $0x2000  }
0x6f: {  	[sflag:s15] =	ssyncset.done $0x0  }
0x70: {  	[sflag:s15] =	ssyncadd.s32 $0xFFFFE000  }
0x71: {  	v1 =	vld.idx.msk [tilespmem:v1+s17+$0x0], $0xffff  }
0x72: {  	v2 =	vld [tilespmem:s23+$0x0];
	_ =	sdelay $0x1  }
0x73: {  	s23 =	simm.s32 $0x1  }
0x74: {  	v3 =	vor.u32 s23, v0;
	_ =	sdelay $0x1  }
0x75: {  	v1 =	vmul.f32 v2, v1  }
0x76: {  	s21 =	simm.s32 $0x4400  }
0x77: {  	[tilespmem:s21+$0x0] =	vst v1  }
0x78: {  	s22 =	simm.s32 $0x2410;
	v1 =	vld.idx.msk [tilespmem:v3+s17+$0x0], $0xffff  }
0x79: {  	v3 =	vld [tilespmem:s22+$0x0];
	_ =	sdelay $0x1  }
0x7a: {  	s23 =	simm.s32 $0x2  }
0x7b: {  	v2 =	vor.u32 s23, v0;
	s23 =	simm.s32 $0x3  }
.LBB2_4:
0x7c: {  	p0 =	sne.s32 s23, $0x1FF  }
0x7d: {  	v1 =	vmul.f32 v3, v1  }
0x7e: {  	s21 =	sadd.s32 $0x10, s21  }
0x7f: {  	[tilespmem:s21+$0x0] =	vst v1  }
.Ltmp1:
0x80: {  	s22 =	sadd.s32 $0x10, s22;
	v1 =	vld.idx.msk [tilespmem:v2+s17+$0x0], $0xffff;
	(pc) =	sbr.rel @p0 .LBB2_4-.Ltmp1, $2  }
0x81: {  	v3 =	vld [tilespmem:s22+$0x0];
	_ =	sdelay $0x2  }
0x82: {  	v2 =	vor.u32 s23, v0;
	s23 =	sadd.s32 $0x1, s23  }
0x83: {  	_ = 	snop  }
0x84: {  	v1 =	vmul.f32 v3, v1  }
0x85: {  	s21 =	sadd.s32 $0x10, s21  }
0x86: {  	[tilespmem:s21+$0x0] =	vst v1  }
0x87: {  	s22 =	sadd.s32 $0x10, s22;
	v1 =	vld.idx.msk [tilespmem:v2+s17+$0x0], $0xffff  }
0x88: {  	v2 =	vld [tilespmem:s22+$0x0];
	_ =	sdelay $0x4  }
0x89: {  	s20 =	sadd.s32 $0x1, s20;
	v1 =	vmul.f32 v2, v1  }
0x8a: {  	p0 =	sne.s32 s20, s14;
	s21 =	sadd.s32 $0x10, s21  }
.Ltmp2:
0x8b: {  	[tilespmem:s21+$0x0] =	vst v1;
	(pc) =	sbr.rel @p0 .LBB2_1-.Ltmp2, $4  }
0x8c: {  	[hbm4b:s13+s1] =	stream.linear.scatter [tilespmem:s19], [sflag:$0x2], $0x2000, $0x38;
	[tilespmem:$0x6400] =	vst v63  }
0x8d: {  	_ =	swait.ge [sflag:s15], $0x2000  }
0x8e: {  	[sflag:s15] =	ssyncset.done $0x0  }
0x8f: {  	[sflag:s15] =	ssyncadd.s32 $0xFFFFE000  }
0x90: {  	_ =	sfence.sel $0x180000  }
0x91: {  	[bflag:$0x0] =	sbarrier.arrive $0xFFFF  }
0x92: {  	_ =	strace $0x9000004D  }
0x93: {  	s0 =	stileid.u32;
	[bflag:$0x2] =	sbarrier.arrive $0xFFFF  }
0x94: {  	p0 =	sne.s32 s0, $0x0;
	s0 =	rddreg [dreg:$0x2]  }
0x95: {  	s0 =	sadd.s32 @!p0 $0x100000, s0  }
0x96: {  	[sflag:s0] =	ssyncadd.tile.s32 @!p0 $0x1;
	_ =	shalt  }
.Lfunc_end2:
_tile_overlayer_lowered:
.L_overlay_start_2:
0x97: {  	(tag) =	ssettag $0x2  }
0x98: {  	s0 =	rddreg [dreg:$0x0];
	s2 =	stileid.u32  }
0x99: {  	s1 =	rddreg [dreg:$0x1];
	p0 =	sne.s32 s2, $0x0  }
0x9a: {  	s3 =	rddreg [dreg:$0x2];
	[bflag:$0x3] =	sbarrier.arrive $0xFFFF;
	s2 =	simm.s32 @!p0 $0x1C02  }
0x9b: {  	[timem:s3], [sflag:s2] =	dma.local @!p0 [hbm:s0], s1  }
0x9c: {  	s0 =	simm.s32 @!p0 $0x2  }
0x9d: {  	_ =	swait.ge @!p0 [sflag:s0], s1  }
0x9e: {  	s1 =	ssub.s32 @!p0 $0x0, s1;
	[sflag:s0] =	ssyncset.done @!p0 $0x0  }
0x9f: {  	[sflag:s0] =	ssyncadd.s32 @!p0 s1  }
0xa0: {  	[bflag:$0x3] =	sbarrier.arrive $0xFFFF  }
0xa1: {  	_ =	shalt  }

// kernel: kernel.14.cloned.1.call-start
scs
__scs_entry_jumppad:
0x0: {  	(pc) =	sbr.rel $0x88, $3  }
0x1: {  	(tag) =	ssettag $0x0;
	lr =	simm.s32 $0x1  }
0x2: {  	[smem:$0x3F95] =	sst lr;
	_ =	strace $0xD0000000  }
0x3: {  	_ = 	snop  }
0x4: {  	_ = 	snop  }
0x5: {  	_ = 	snop  }
0x6: {  	_ = 	snop  }
0x7: {  	_ = 	snop  }
__scs_overlays_trampoline_lowered:
0x8: {  	[smem:$0x3FA4] =	sst s0  }
0x9: {  	[smem:$0x3FA5] =	sst s1  }
0xa: {  	[smem:$0x3FA6] =	sst s2  }
0xb: {  	[smem:$0x3FA7] =	sst s3  }
0xc: {  	[smem:$0x3FA8] =	sst s4  }
0xd: {  	[smem:$0x3FA9] =	sst s5  }
0xe: {  	[smem:$0x3FAA] =	sst s6  }
0xf: {  	[smem:$0x3FAB] =	sst s7  }
0x10: {  	[smem:$0x3FAC] =	sst s8  }
0x11: {  	[smem:$0x3FAD] =	sst s9;
	s0 =	simm.s32 @!p0 $0x0  }
0x12: {  	s1 =	sld [smem:$0x3F93];
	s0 =	simm.s32 @p0 $0x1  }
0x13: {  	[smem:$0x3FAE] =	sst s0;
	s0 =	simm.s32 @!p1 $0x0  }
0x14: {  	s2 =	sld [smem:$0x3F92];
	s0 =	simm.s32 @p1 $0x1  }
0x15: {  	[smem:$0x3FAF] =	sst s0;
	s0 =	simm.s32 @!p2 $0x0  }
0x16: {  	s3 =	sld [smem:$0x3FDB];
	s0 =	simm.s32 @p2 $0x1  }
0x17: {  	s4 =	simm.s32 $0x1BF5;
	[smem:$0x3FB1] =	sst s0  }
0x18: {  	s0 =	sld [smem:$0x3F94];
	_ =	swait.ge [sflag:s4], $0x0  }
0x19: {  	s7 =	sld [smem:$0x3F95]  }
0x1a: {  	s8 =	sadd.s32 $0xFFFFE003, lr  }
0x1b: {  	s9 =	sadd.s32 $0xFFFFFEF7, lr;
	s5 =	simm.s32 $0xFFFFFFFF;
	p2 =	slt.u32 s8, $0xFFFFF086  }
0x1c: {  	p1 =	slt.u32 s9, $0xF7A;
	s5 =	simm.s32 @!p2 $0x0  }
0x1d: {  	s5 =	simm.s32 @p1 $0x1;
	p0 =	seq.s32 s7, s2  }
0x1e: {  	s7 =	smul.u32 @!p0 $0xF7A, s2;
	p2 =	seq.s32 @!p0 s5, $0x0  }
0x1f: {  	s9 =	smul.u32 $0xF7A, s1;
	s8 =	simm.s32 @!p0 $0x1BF5;
	p2 =	por !p2, p0  }
0x20: {  	[sflag:s8] =	ssyncset.s32 @!p0 $0xFFFFF086;
	s6 =	sadd.s32 @!p0 s3, s7;
	s7 =	simm.s32 @!p0 $0x108  }
0x21: {  	s3 =	sadd.s32 s3, s9;
	s6 =	sadd.s32 @!p0 $0x88, s6;
	s7 =	simm.s32 @p2 $0x1082  }
0x22: {  	[simem:s7], [sflag:s8] =	dma.local @!p0 [hbm:s6], $0xF7A  }
0x23: {  	s9 =	sor.u32 $0xD0000000, s2;
	s6 =	simm.s32 $0x108;
	_ =	swait.ge @!p0 [sflag:s8], $0x0  }
0x24: {  	s3 =	sadd.s32 $0x88, s3;
	s6 =	simm.s32 @!p1 $0x1082;
	[sflag:s4] =	ssyncset.s32 $0xFFFFF086  }
0x25: {  	[simem:s6], [sflag:s4] =	dma.local [hbm:s3], $0xF7A  }
0x26: {  	[smem:$0x3F95] =	sst s1;
	(tag) =	ssettag s2;
	_ =	strace s9  }
0x27: {  	s1 =	sld [smem:$0x3FA5]  }
0x28: {  	s2 =	sld [smem:$0x3FA6]  }
0x29: {  	s4 =	sld [smem:$0x3FA8]  }
0x2a: {  	p0 =	seq.s32 s5, $0x0;
	s5 =	sld [smem:$0x3FA9]  }
0x2b: {  	s6 =	sld [smem:$0x3FAA]  }
0x2c: {  	s7 =	sld [smem:$0x3FAB]  }
0x2d: {  	s3 =	simm.s32 $0x108;
	s8 =	sld [smem:$0x3FAC]  }
0x2e: {  	s3 =	simm.s32 @!p0 $0x1082;
	s9 =	sld [smem:$0x3FAD]  }
0x2f: {  	lr =	sadd.s32 s0, s3;
	s0 =	sld [smem:$0x3FA4]  }
0x30: {  	s3 =	sld [smem:$0x3FA7]  }
0x31: {  	[smem:$0x3FB0] =	sst s10  }
0x32: {  	s10 =	sld [smem:$0x3FAE];
	_ =	sdelay $0x3  }
0x33: {  	p0 =	seq.s32 s10, $0x1;
	s10 =	sld [smem:$0x3FB0];
	_ =	sdelay $0x3  }
0x34: {  	[smem:$0x3FB0] =	sst s10  }
0x35: {  	s10 =	sld [smem:$0x3FAF];
	_ =	sdelay $0x3  }
0x36: {  	p1 =	seq.s32 s10, $0x1;
	s10 =	sld [smem:$0x3FB0];
	_ =	sdelay $0x3  }
0x37: {  	[smem:$0x3FB0] =	sst s10  }
0x38: {  	s10 =	sld [smem:$0x3FB1]  }
0x39: {  	_ = 	snop;
	(pc) =	sbr.ind lr, $3  }
0x3a: {  	_ = 	snop  }
0x3b: {  	_ = 	snop  }
0x3c: {  	p2 =	seq.s32 s10, $0x1;
	s10 =	sld [smem:$0x3FB0]  }
0x3d: {  	_ =	shalt  }
0x3e: {  	_ =	shalt  }
0x3f: {  	_ =	shalt  }
0x40: {  	_ =	shalt  }
0x41: {  	_ =	shalt  }
0x42: {  	_ =	shalt  }
0x43: {  	_ =	shalt  }
0x44: {  	_ =	shalt  }
0x45: {  	_ =	shalt  }
0x46: {  	_ =	shalt  }
0x47: {  	_ =	shalt  }
0x48: {  	_ =	shalt  }
0x49: {  	_ =	shalt  }
0x4a: {  	_ =	shalt  }
0x4b: {  	_ =	shalt  }
0x4c: {  	_ =	shalt  }
0x4d: {  	_ =	shalt  }
0x4e: {  	_ =	shalt  }
0x4f: {  	_ =	shalt  }
0x50: {  	_ =	shalt  }
0x51: {  	_ =	shalt  }
0x52: {  	_ =	shalt  }
0x53: {  	_ =	shalt  }
0x54: {  	_ =	shalt  }
0x55: {  	_ =	shalt  }
0x56: {  	_ =	shalt  }
0x57: {  	_ =	shalt  }
0x58: {  	_ =	shalt  }
0x59: {  	_ =	shalt  }
0x5a: {  	_ =	shalt  }
0x5b: {  	_ =	shalt  }
0x5c: {  	_ =	shalt  }
0x5d: {  	_ =	shalt  }
0x5e: {  	_ =	shalt  }
0x5f: {  	_ =	shalt  }
0x60: {  	_ =	shalt  }
0x61: {  	_ =	shalt  }
0x62: {  	_ =	shalt  }
0x63: {  	_ =	shalt  }
0x64: {  	_ =	shalt  }
0x65: {  	_ =	shalt  }
0x66: {  	_ =	shalt  }
0x67: {  	_ =	shalt  }
0x68: {  	_ =	shalt  }
0x69: {  	_ =	shalt  }
0x6a: {  	_ =	shalt  }
0x6b: {  	_ =	shalt  }
0x6c: {  	_ =	shalt  }
0x6d: {  	_ =	shalt  }
0x6e: {  	_ =	shalt  }
0x6f: {  	_ =	shalt  }
0x70: {  	_ =	shalt  }
0x71: {  	_ =	shalt  }
0x72: {  	_ =	shalt  }
0x73: {  	_ =	shalt  }
0x74: {  	_ =	shalt  }
0x75: {  	_ =	shalt  }
0x76: {  	_ =	shalt  }
0x77: {  	_ =	shalt  }
0x78: {  	_ =	shalt  }
0x79: {  	_ =	shalt  }
0x7a: {  	_ =	shalt  }
0x7b: {  	_ =	shalt  }
0x7c: {  	_ =	shalt  }
0x7d: {  	_ =	shalt  }
0x7e: {  	_ =	shalt  }
0x7f: {  	_ =	shalt  }
0x80: {  	_ =	shalt  }
0x81: {  	_ =	shalt  }
0x82: {  	_ =	shalt  }
0x83: {  	_ =	shalt  }
0x84: {  	_ =	shalt  }
0x85: {  	_ =	shalt  }
0x86: {  	_ =	shalt  }
0x87: {  	_ =	shalt  }
.Lfunc_end0:
.L_simem_size_0:
called_computation.2_lowered:
.L_overlay_start_0:
0x88: {  	s2 =	sld [smem:$0x3FD9]  }
0x89: {  	s3 =	sld [smem:$0x3FFE];
	_ =	sdelay $0x1  }
0x8a: {  	s1 =	srdreg.scid  }
0x8b: {  	s0 =	sand.u32 $0x1, s1  }
0x8c: {  	s17 =	sshll.u32 s0, $0xA;
	s2 =	sadd.s32 s3, s2  }
0x8d: {  	s2 =	sadd.s32 s2, s17  }
0x8e: {  	[smem:$0x3FBC] =	sst s2  }
0x8f: {  	_ = 	snop  }
0x90: {  	s18 =	sld [smem:$0x3FC9];
	(tm) =	ssettm $0x1  }
0x91: {  	s19 =	sld [smem:$0x3FFB];
	_ =	sdelay $0x3  }
0x92: {  	_ =	strace s19  }
0x93: {  	s2 =	sld [smem:$0x3FFC];
	_ =	sdelay $0x3  }
0x94: {  	_ =	strace s2  }
0x95: {  	s2 =	sld [smem:$0x3FFD];
	_ =	sdelay $0x3  }
0x96: {  	_ =	strace s2  }
0x97: {  	_ =	strace $0x8FFFFFFF  }
0x98: {  	s20 =	sld [smem:$0x3FDB];
	_ =	sdelay $0x1  }
0x99: {  	s4 =	simm.s32 $_scs_section_size  }
0x9a: {  	s5 =	simm.s32 $_size__tile_overlayer_lowered;
	s6 =	simm.s32 $_tile_overlayer_lowered  }
0x9b: {  	s7 =	simm.s32 $0x1BFF;
	s21 =	sshll.u32 s6, $0x1;
	s4 =	sadd.s32 s4, s20  }
0x9c: {  	s22 =	simm.s32 $0x0;
	s5 =	sshll.u32 s5, $0x1;
	s6 =	sadd.s32 s21, s4  }
0x9d: {  	[timem:s22], [sflag:s7] =	dma.local [hbm:s6], s5  }
0x9e: {  	_ =	swait.ge [sflag:s7], s5  }
0x9f: {  	s5 =	ssub.s32 $0x0, s5;
	[sflag:s7] =	ssyncset.done $0x0  }
0xa0: {  	[sflag:s7] =	ssyncadd.s32 s5;
	_ =	sdelay $0x1  }
0xa1: {  	s23 =	simm.s32 $0x1B8B  }
0xa2: {  	_ =	swait.ge [sflag:s23], $0x1  }
0xa3: {  	[sflag:s23] =	ssyncset.done $0x0  }
0xa4: {  	[sflag:s23] =	ssyncadd.s32 $0xFFFFFFFF  }
0xa5: {  	s5 =	sld [smem:$0x0]  }
0xa6: {  	s6 =	sand.u32 $0xFFFFFFFE, s1  }
0xa7: {  	p0 =	sne.s32 s1, s6  }
0xa8: {  	s6 =	sshll.u32 @p0 s6, $0xE  }
0xa9: {  	s6 =	sadd.s32 @p0 $0x11B8D, s6;
	s7 =	sshll.u32 @p0 s5, $0x11  }
0xaa: {  	s6 =	sor.u32 @p0 s7, s6  }
0xab: {  	[sflag:s6] =	ssyncadd.remote.s32 @p0 $0x1;
	_ =	sdelay $0x1  }
0xac: {  	s6 =	simm.s32 @p0 $0x1B8D  }
0xad: {  	_ =	swait.eq @p0 [sflag:s6], $0x1  }
0xae: {  	[sflag:s6] =	ssyncadd.s32 @p0 $0xFFFFFFFF  }
0xaf: {  	s7 =	sshll.u32 @!p0 s1, $0xE  }
0xb0: {  	s7 =	sor.u32 @!p0 $0x4000, s7;
	s6 =	simm.s32 @!p0 $0x1B8D  }
0xb1: {  	s5 =	sshll.u32 @!p0 s5, $0x11;
	s7 =	sadd.s32 @!p0 $0x11B8D, s7;
	_ =	swait.eq @!p0 [sflag:s6], $0x1  }
0xb2: {  	s5 =	sor.u32 @!p0 s5, s7;
	[sflag:s6] =	ssyncadd.s32 @!p0 $0xFFFFFFFF  }
0xb3: {  	s25 =	simm.s32 $0x1B8E;
	s24 =	sld [smem:$0x3FFE];
	[sflag:s5] =	ssyncadd.remote.s32 @!p0 $0x1  }
0xb4: {  	s26 =	simm.s32 $execute0_lowered;
	[smem:$0x3FD2] =	sst s25  }
0xb5: {  	s6 =	sshll.u32 s26, $0x1;
	_ =	strace $0x80000049;
	[dreg:$0x1] =	wrdreg $0xFFFFFFFF  }
0xb6: {  	s28 =	simm.s32 $_size_execute0_lowered;
	s4 =	sadd.s32 s4, s6;
	[dreg:$0x0] =	wrdreg $0x0  }
0xb7: {  	s6 =	sshll.u32 s28, $0x1;
	[dreg:$0x2] =	wrdreg s4  }
0xb8: {  	[dreg:$0x3] =	wrdreg s6  }
0xb9: {  	[dreg:$0x4] =	wrdreg $0xC0  }
0xba: {  	_ =	task [dreg:s22], $0x5FFFF  }
0xbb: {  	[dreg:$0x1] =	wrdreg $0xFFFFFFFF  }
0xbc: {  	[dreg:$0x0] =	wrdreg $0x60  }
0xbd: {  	[dreg:$0x2] =	wrdreg s18  }
0xbe: {  	[dreg:$0x3] =	wrdreg s24  }
0xbf: {  	[dreg:$0x4] =	wrdreg $0x9  }
0xc0: {  	_ =	task.clear_ibuf [dreg:s22], $0x5FFFF;
	_ =	strace $0x90000049  }
0xc1: {  	s29 =	simm.s32 $0x9;
	_ =	strace $0x8000004B  }
0xc2: {  	_ =	swait.ge [sflag:s29], $0x1  }
0xc3: {  	[sflag:s29] =	ssyncadd.s32 $0xFFFFFFFF  }
0xc4: {  	_ =	strace $0x9000004B  }
0xc5: {  	_ =	sfence  }
0xc6: {  	s30 =	sld [smem:$0x0];
	_ =	sdelay $0x2  }
0xc7: {  	s31 =	sshll.u32 s1, $0xD;
	s1 =	sshrl.u32 s1, $0x2  }
0xc8: {  	s4 =	sand.u32 $0x4000, s31;
	s1 =	sadd.s32 s1, s30  }
0xc9: {  	s0 =	sor.u32 s4, s0;
	s1 =	sshll.u32 s1, $0x11  }
0xca: {  	s0 =	sor.u32 s1, s0  }
0xcb: {  	s0 =	sadd.s32 $0x8F2B, s0  }
0xcc: {  	[sflag:s0] =	ssyncadd.remote.s32 $0x1  }
0xcd: {  	_ =	sfence.sel $0xFFFF  }
0xce: {  	[dreg:$0x0] =	wrdreg $0xFFFFFFFF;
	(pc) =	sbr.abs _section_cstart, $3  }
0xcf: {  	[dreg:$0x1] =	wrdreg $0xFFFFFFFF  }
0xd0: {  	_ =	task.clear_ibuf [dreg:s22], $0x2FFFF;
	_ =	strace $0x9FFFFFFF  }
0xd1: {  	(tm) =	ssettm $0x7FFFFFFF  }
tec
execute0_lowered:
.L_overlay_start_1:
0x0: {  	(tag) =	ssettag $0x1  }
0x1: {  	s0 =	rddreg [dreg:$0x0]  }
0x2: {  	s4 =	rddreg [dreg:$0x1]  }
0x3: {  	s1 =	simm.s32 $0x0;
	s8 =	srdreg.scid;
	s9 =	stileid.u32  }
0x4: {  	s15 =	simm.s32 $0x200;
	s16 =	simm.s32 $0x400;
	s22 =	simm.s32 $0xA00  }
0x5: {  	s23 =	simm.s32 $0x1A00;
	s24 =	simm.s32 $0xC00;
	s28 =	simm.s32 $0x1E00  }
0x6: {  	s29 =	simm.s32 $0x1000;
	s30 =	simm.s32 $0x2000;
	s31 =	simm.s32 $0x1200  }
0x7: {  	s17 =	simm.s32 $0x2400;
	s18 =	simm.s32 $0x0;
	s2 =	sadd.s32 $0x1F4A00, s4  }
0x8: {  	[smem:$0x7FF] =	sst s1;
	s3 =	sadd.s32 $0x234A00, s4;
	s5 =	sadd.s32 $0x74A00, s4  }
0x9: {  	s6 =	sadd.s32 $0xB4A00, s4;
	s10 =	sand.u32 $0x1, s8;
	s8 =	sadd.s32 $0x134A00, s4  }
0xa: {  	s7 =	sadd.s32 $0xF4A00, s4;
	s11 =	sshll.u32 s9, $0xA;
	s9 =	sadd.s32 $0x174A00, s4  }
0xb: {  	_ =	strace $0x8000004A;
	s12 =	sshll.u32 s10, $0x9;
	s25 =	ssub.s32 $0x2, s10  }
0xc: {  	s10 =	sadd.s32 $0x1B4A00, s4;
	s11 =	sor.u32 s12, s11;
	s14 =	sshrl.u32 s25, $0x1  }
0xd: {  	s13 =	sshll.u32 s11, $0x1;
	s26 =	ssub.s32 s25, s14;
	s11 =	sshrl.u32 s11, $0x3  }
0xe: {  	s14 =	simm.s32 $0x2;
	s25 =	simm.s32 $0x1C00;
	s4 =	sadd.s32 s13, s4  }
0xf: {  	v0 =	vlaneseq.u32;
	s11 =	sadd.s32 s0, s11;
	s13 =	smax.u32 s26, $0x1;
	s26 =	simm.s32 $0xE00  }
0x10: {  	v0 =	vmul.u32 $0x200, v0;
	s0 =	simm.s32 $0x2200;
	s12 =	sadd.s32 $0x274A00, s4;
	s4 =	simm.s32 $0x1  }
.LBB2_1:
0x11: {  	[tilespmem:s1], [sflag:$0x2] =	stream.linear.gather [hbm4b:s11+s1], $0x200, $0x38;
	[tilespmem:$0x4400] =	vst v63  }
0x12: {  	_ =	swait.ge [sflag:s14], $0x200  }
0x13: {  	[sflag:s14] =	ssyncset.done $0x0  }
0x14: {  	s19 =	simm.s32 $0x0;
	[sflag:s14] =	ssyncadd.s32 $0xFFFFFE00  }
0x15: {  	s20 =	simm.s32 $0x40;
	v1 =	vld [tilespmem:s19+$0x0]  }
.LBB2_2:
0x16: {  	p0 =	sne.s32 s20, $0x7C0  }
.Ltmp0:
0x17: {  	_ = 	snop;
	(pc) =	sbr.rel @p0 .LBB2_2-.Ltmp0, $3  }
0x18: {  	_ =	sdelay $0x1  }
0x19: {  	s21 =	sshra.s32 s20, $0x2;
	s20 =	sadd.s32 $0x40, s20;
	v2 =	vadd.s32 $0x100000, v1  }
0x1a: {  	v1 =	vld [tilespmem:s21+$0x0];
	[tilespmem:s19+$0x200] =	vst v2;
	s19 =	smov.u32 s21  }
0x1b: {  	_ =	sdelay $0x3  }
0x1c: {  	v1 =	vadd.s32 $0x100000, v1  }
0x1d: {  	[tilespmem:s19+$0x200] =	vst v1;
	s19 =	simm.s32 $0x0  }
0x1e: {  	[tilespmem:s16], [sflag:$0x1] =	stream.indirect.gather [hbm4b:s2+s15], $0x1, s19, s15, $0xb8;
	[tilespmem:$0x4400] =	vst v63  }
0x1f: {  	s20 =	simm.s32 $0x1400  }
0x20: {  	[tilespmem:s20], [sflag:$0x1] =	stream.indirect.gather [hbm4b:s2+s15], $0x1, s15, s15, $0xb8;
	[tilespmem:$0x4400] =	vst v63  }
0x21: {  	s21 =	simm.s32 $0x600  }
0x22: {  	[tilespmem:s21], [sflag:$0x1] =	stream.indirect.gather [hbm4b:s3+s15], $0x1, s19, s15, $0xb8;
	[tilespmem:$0x4400] =	vst v63  }
0x23: {  	s21 =	simm.s32 $0x1600  }
0x24: {  	[tilespmem:s21], [sflag:$0x1] =	stream.indirect.gather [hbm4b:s3+s15], $0x1, s15, s15, $0xb8;
	[tilespmem:$0x4400] =	vst v63  }
0x25: {  	s21 =	simm.s32 $0x800  }
0x26: {  	[tilespmem:s21], [sflag:$0x1] =	stream.indirect.gather [hbm4b:s5+s15], $0x1, s19, s15, $0xb8;
	[tilespmem:$0x4400] =	vst v63  }
0x27: {  	s21 =	simm.s32 $0x1800  }
0x28: {  	[tilespmem:s21], [sflag:$0x1] =	stream.indirect.gather [hbm4b:s5+s15], $0x1, s15, s15, $0xb8;
	[tilespmem:$0x4400] =	vst v63  }
0x29: {  	_ = 	snop  }
0x2a: {  	[tilespmem:s22], [sflag:$0x1] =	stream.indirect.gather [hbm4b:s6+s15], $0x1, s19, s15, $0xb8;
	[tilespmem:$0x4400] =	vst v63  }
0x2b: {  	_ = 	snop  }
0x2c: {  	[tilespmem:s23], [sflag:$0x1] =	stream.indirect.gather [hbm4b:s6+s15], $0x1, s15, s15, $0xb8;
	[tilespmem:$0x4400] =	vst v63  }
0x2d: {  	_ = 	snop  }
0x2e: {  	[tilespmem:s24], [sflag:$0x1] =	stream.indirect.gather [hbm4b:s7+s15], $0x1, s19, s15, $0xb8;
	[tilespmem:$0x4400] =	vst v63  }
0x2f: {  	_ = 	snop  }
0x30: {  	[tilespmem:s25], [sflag:$0x1] =	stream.indirect.gather [hbm4b:s7+s15], $0x1, s15, s15, $0xb8;
	[tilespmem:$0x4400] =	vst v63  }
0x31: {  	_ = 	snop  }
0x32: {  	[tilespmem:s26], [sflag:$0x1] =	stream.indirect.gather [hbm4b:s8+s15], $0x1, s19, s15, $0xb8;
	[tilespmem:$0x4400] =	vst v63  }
0x33: {  	_ = 	snop  }
0x34: {  	[tilespmem:s28], [sflag:$0x1] =	stream.indirect.gather [hbm4b:s8+s15], $0x1, s15, s15, $0xb8;
	[tilespmem:$0x4400] =	vst v63  }
0x35: {  	_ = 	snop  }
0x36: {  	[tilespmem:s29], [sflag:$0x1] =	stream.indirect.gather [hbm4b:s9+s15], $0x1, s19, s15, $0xb8;
	[tilespmem:$0x4400] =	vst v63  }
0x37: {  	_ = 	snop  }
0x38: {  	[tilespmem:s30], [sflag:$0x1] =	stream.indirect.gather [hbm4b:s9+s15], $0x1, s15, s15, $0xb8;
	[tilespmem:$0x4400] =	vst v63  }
0x39: {  	_ = 	snop  }
0x3a: {  	[tilespmem:s31], [sflag:$0x1] =	stream.indirect.gather [hbm4b:s10+s15], $0x1, s19, s15, $0xb8;
	[tilespmem:$0x4400] =	vst v63  }
0x3b: {  	_ = 	snop  }
0x3c: {  	[tilespmem:s0], [sflag:$0x1] =	stream.indirect.gather [hbm4b:s10+s15], $0x1, s15, s15, $0xb8;
	[tilespmem:$0x4400] =	vst v63  }
0x3d: {  	_ =	swait.ge [sflag:s4], $0x200  }
0x3e: {  	[sflag:s4] =	ssyncset.done $0x0  }
0x3f: {  	[sflag:s4] =	ssyncadd.s32 $0xFFFFFE00  }
0x40: {  	_ =	swait.ge [sflag:s4], $0x200  }
0x41: {  	[sflag:s4] =	ssyncset.done $0x0  }
0x42: {  	[sflag:s4] =	ssyncadd.s32 $0xFFFFFE00  }
0x43: {  	_ =	swait.ge [sflag:s4], $0x200  }
0x44: {  	[sflag:s4] =	ssyncset.done $0x0  }
0x45: {  	[sflag:s4] =	ssyncadd.s32 $0xFFFFFE00  }
0x46: {  	_ =	swait.ge [sflag:s4], $0x200  }
0x47: {  	[sflag:s4] =	ssyncset.done $0x0  }
0x48: {  	[sflag:s4] =	ssyncadd.s32 $0xFFFFFE00  }
0x49: {  	_ =	swait.ge [sflag:s4], $0x200  }
0x4a: {  	[sflag:s4] =	ssyncset.done $0x0  }
0x4b: {  	[sflag:s4] =	ssyncadd.s32 $0xFFFFFE00  }
0x4c: {  	_ =	swait.ge [sflag:s4], $0x200  }
0x4d: {  	[sflag:s4] =	ssyncset.done $0x0  }
0x4e: {  	[sflag:s4] =	ssyncadd.s32 $0xFFFFFE00  }
0x4f: {  	_ =	swait.ge [sflag:s4], $0x200  }
0x50: {  	[sflag:s4] =	ssyncset.done $0x0  }
0x51: {  	[sflag:s4] =	ssyncadd.s32 $0xFFFFFE00  }
0x52: {  	_ =	swait.ge [sflag:s4], $0x200  }
0x53: {  	[sflag:s4] =	ssyncset.done $0x0  }
0x54: {  	[sflag:s4] =	ssyncadd.s32 $0xFFFFFE00  }
0x55: {  	_ =	swait.ge [sflag:s4], $0x200  }
0x56: {  	[sflag:s4] =	ssyncset.done $0x0  }
0x57: {  	[sflag:s4] =	ssyncadd.s32 $0xFFFFFE00  }
0x58: {  	_ =	swait.ge [sflag:s4], $0x200  }
0x59: {  	[sflag:s4] =	ssyncset.done $0x0  }
0x5a: {  	[sflag:s4] =	ssyncadd.s32 $0xFFFFFE00  }
0x5b: {  	_ =	swait.ge [sflag:s4], $0x200  }
0x5c: {  	[sflag:s4] =	ssyncset.done $0x0  }
0x5d: {  	[sflag:s4] =	ssyncadd.s32 $0xFFFFFE00  }
0x5e: {  	_ =	swait.ge [sflag:s4], $0x200  }
0x5f: {  	[sflag:s4] =	ssyncset.done $0x0  }
0x60: {  	[sflag:s4] =	ssyncadd.s32 $0xFFFFFE00  }
0x61: {  	_ =	swait.ge [sflag:s4], $0x200  }
0x62: {  	[sflag:s4] =	ssyncset.done $0x0  }
0x63: {  	[sflag:s4] =	ssyncadd.s32 $0xFFFFFE00  }
0x64: {  	_ =	swait.ge [sflag:s4], $0x200  }
0x65: {  	[sflag:s4] =	ssyncset.done $0x0  }
0x66: {  	[sflag:s4] =	ssyncadd.s32 $0xFFFFFE00  }
0x67: {  	_ =	swait.ge [sflag:s4], $0x200  }
0x68: {  	v1 =	vor.u32 s19, v0;
	[sflag:s4] =	ssyncset.done $0x0  }
0x69: {  	[sflag:s4] =	ssyncadd.s32 $0xFFFFFE00  }
0x6a: {  	_ =	swait.ge [sflag:s4], $0x200  }
0x6b: {  	[sflag:s4] =	ssyncset.done $0x0  }
0x6c: {  	[sflag:s4] =	ssyncadd.s32 $0xFFFFFE00  }
0x6d: {  	s20 =	simm.s32 $0x1;
	v1 =	vld.idx.msk [tilespmem:v1+s16+$0x0], $0xffff  }
0x6e: {  	v2 =	vor.u32 s20, v0;
	_ =	sdelay $0x2  }
0x6f: {  	s19 =	simm.s32 $0x2400  }
0x70: {  	[tilespmem:s19+$0x0] =	vst v1  }
0x71: {  	s21 =	simm.s32 $0x2;
	v1 =	vld.idx.msk [tilespmem:v2+s16+$0x0], $0xffff  }
0x72: {  	s20 =	simm.s32 $0x3;
	v2 =	vor.u32 s21, v0  }
.LBB2_4:
0x73: {  	p0 =	sne.s32 s20, $0x1FF;
	_ =	sdelay $0x1  }
.Ltmp1:
0x74: {  	s19 =	sadd.s32 $0x10, s19;
	(pc) =	sbr.rel @p0 .LBB2_4-.Ltmp1, $3  }
0x75: {  	[tilespmem:s19+$0x0] =	vst v1  }
0x76: {  	v1 =	vld.idx.msk [tilespmem:v2+s16+$0x0], $0xffff;
	_ =	sdelay $0x1  }
0x77: {  	v2 =	vor.u32 s20, v0;
	s20 =	sadd.s32 $0x1, s20  }
0x78: {  	_ =	sdelay $0x1  }
0x79: {  	s19 =	sadd.s32 $0x10, s19  }
0x7a: {  	[tilespmem:s19+$0x0] =	vst v1  }
0x7b: {  	v1 =	vld.idx.msk [tilespmem:v2+s16+$0x0], $0xffff;
	_ =	sdelay $0x2  }
0x7c: {  	s18 =	sadd.s32 $0x1, s18  }
0x7d: {  	p0 =	sne.s32 s18, s13;
	s19 =	sadd.s32 $0x10, s19  }
.Ltmp2:
0x7e: {  	[tilespmem:s19+$0x0] =	vst v1;
	(pc) =	sbr.rel @p0 .LBB2_1-.Ltmp2, $4  }
0x7f: {  	[hbm4b:s12+s1] =	stream.linear.scatter [tilespmem:s17], [sflag:$0x2], $0x2000, $0x38;
	[tilespmem:$0x4400] =	vst v63  }
0x80: {  	_ =	swait.ge [sflag:s14], $0x2000  }
0x81: {  	[sflag:s14] =	ssyncset.done $0x0  }
0x82: {  	[sflag:s14] =	ssyncadd.s32 $0xFFFFE000  }
0x83: {  	_ =	sfence.sel $0x180000  }
0x84: {  	[bflag:$0x0] =	sbarrier.arrive $0xFFFF  }
0x85: {  	_ =	strace $0x9000004A  }
0x86: {  	s0 =	stileid.u32;
	[bflag:$0x2] =	sbarrier.arrive $0xFFFF  }
0x87: {  	p0 =	sne.s32 s0, $0x0;
	s0 =	rddreg [dreg:$0x2]  }
0x88: {  	s0 =	sadd.s32 @!p0 $0x100000, s0  }
0x89: {  	[sflag:s0] =	ssyncadd.tile.s32 @!p0 $0x1;
	_ =	shalt  }
.Lfunc_end2:
_tile_overlayer_lowered:
.L_overlay_start_2:
0x8a: {  	(tag) =	ssettag $0x2  }
0x8b: {  	s0 =	rddreg [dreg:$0x0];
	s2 =	stileid.u32  }
0x8c: {  	s1 =	rddreg [dreg:$0x1];
	p0 =	sne.s32 s2, $0x0  }
0x8d: {  	s3 =	rddreg [dreg:$0x2];
	[bflag:$0x3] =	sbarrier.arrive $0xFFFF;
	s2 =	simm.s32 @!p0 $0x1C02  }
0x8e: {  	[timem:s3], [sflag:s2] =	dma.local @!p0 [hbm:s0], s1  }
0x8f: {  	s0 =	simm.s32 @!p0 $0x2  }
0x90: {  	_ =	swait.ge @!p0 [sflag:s0], s1  }
0x91: {  	s1 =	ssub.s32 @!p0 $0x0, s1;
	[sflag:s0] =	ssyncset.done @!p0 $0x0  }
0x92: {  	[sflag:s0] =	ssyncadd.s32 @!p0 s1  }
0x93: {  	[bflag:$0x3] =	sbarrier.arrive $0xFFFF  }
0x94: {  	_ =	shalt  }

// kernel: kernel.8.cloned.1.call-start
scs
__scs_entry_jumppad:
0x0: {  	(pc) =	sbr.rel $0x88, $3  }
0x1: {  	(tag) =	ssettag $0x0;
	lr =	simm.s32 $0x1  }
0x2: {  	[smem:$0x3F95] =	sst lr;
	_ =	strace $0xD0000000  }
0x3: {  	_ = 	snop  }
0x4: {  	_ = 	snop  }
0x5: {  	_ = 	snop  }
0x6: {  	_ = 	snop  }
0x7: {  	_ = 	snop  }
__scs_overlays_trampoline_lowered:
0x8: {  	[smem:$0x3FA4] =	sst s0  }
0x9: {  	[smem:$0x3FA5] =	sst s1  }
0xa: {  	[smem:$0x3FA6] =	sst s2  }
0xb: {  	[smem:$0x3FA7] =	sst s3  }
0xc: {  	[smem:$0x3FA8] =	sst s4  }
0xd: {  	[smem:$0x3FA9] =	sst s5  }
0xe: {  	[smem:$0x3FAA] =	sst s6  }
0xf: {  	[smem:$0x3FAB] =	sst s7  }
0x10: {  	[smem:$0x3FAC] =	sst s8  }
0x11: {  	[smem:$0x3FAD] =	sst s9;
	s0 =	simm.s32 @!p0 $0x0  }
0x12: {  	s1 =	sld [smem:$0x3F93];
	s0 =	simm.s32 @p0 $0x1  }
0x13: {  	[smem:$0x3FAE] =	sst s0;
	s0 =	simm.s32 @!p1 $0x0  }
0x14: {  	s2 =	sld [smem:$0x3F92];
	s0 =	simm.s32 @p1 $0x1  }
0x15: {  	[smem:$0x3FAF] =	sst s0;
	s0 =	simm.s32 @!p2 $0x0  }
0x16: {  	s3 =	sld [smem:$0x3FDB];
	s0 =	simm.s32 @p2 $0x1  }
0x17: {  	s4 =	simm.s32 $0x1BF5;
	[smem:$0x3FB1] =	sst s0  }
0x18: {  	s0 =	sld [smem:$0x3F94];
	_ =	swait.ge [sflag:s4], $0x0  }
0x19: {  	s7 =	sld [smem:$0x3F95]  }
0x1a: {  	s8 =	sadd.s32 $0xFFFFE003, lr  }
0x1b: {  	s9 =	sadd.s32 $0xFFFFFEF7, lr;
	s5 =	simm.s32 $0xFFFFFFFF;
	p2 =	slt.u32 s8, $0xFFFFF086  }
0x1c: {  	p1 =	slt.u32 s9, $0xF7A;
	s5 =	simm.s32 @!p2 $0x0  }
0x1d: {  	s5 =	simm.s32 @p1 $0x1;
	p0 =	seq.s32 s7, s2  }
0x1e: {  	s7 =	smul.u32 @!p0 $0xF7A, s2;
	p2 =	seq.s32 @!p0 s5, $0x0  }
0x1f: {  	s9 =	smul.u32 $0xF7A, s1;
	s8 =	simm.s32 @!p0 $0x1BF5;
	p2 =	por !p2, p0  }
0x20: {  	[sflag:s8] =	ssyncset.s32 @!p0 $0xFFFFF086;
	s6 =	sadd.s32 @!p0 s3, s7;
	s7 =	simm.s32 @!p0 $0x108  }
0x21: {  	s3 =	sadd.s32 s3, s9;
	s6 =	sadd.s32 @!p0 $0x88, s6;
	s7 =	simm.s32 @p2 $0x1082  }
0x22: {  	[simem:s7], [sflag:s8] =	dma.local @!p0 [hbm:s6], $0xF7A  }
0x23: {  	s9 =	sor.u32 $0xD0000000, s2;
	s6 =	simm.s32 $0x108;
	_ =	swait.ge @!p0 [sflag:s8], $0x0  }
0x24: {  	s3 =	sadd.s32 $0x88, s3;
	s6 =	simm.s32 @!p1 $0x1082;
	[sflag:s4] =	ssyncset.s32 $0xFFFFF086  }
0x25: {  	[simem:s6], [sflag:s4] =	dma.local [hbm:s3], $0xF7A  }
0x26: {  	[smem:$0x3F95] =	sst s1;
	(tag) =	ssettag s2;
	_ =	strace s9  }
0x27: {  	s1 =	sld [smem:$0x3FA5]  }
0x28: {  	s2 =	sld [smem:$0x3FA6]  }
0x29: {  	s4 =	sld [smem:$0x3FA8]  }
0x2a: {  	p0 =	seq.s32 s5, $0x0;
	s5 =	sld [smem:$0x3FA9]  }
0x2b: {  	s6 =	sld [smem:$0x3FAA]  }
0x2c: {  	s7 =	sld [smem:$0x3FAB]  }
0x2d: {  	s3 =	simm.s32 $0x108;
	s8 =	sld [smem:$0x3FAC]  }
0x2e: {  	s3 =	simm.s32 @!p0 $0x1082;
	s9 =	sld [smem:$0x3FAD]  }
0x2f: {  	lr =	sadd.s32 s0, s3;
	s0 =	sld [smem:$0x3FA4]  }
0x30: {  	s3 =	sld [smem:$0x3FA7]  }
0x31: {  	[smem:$0x3FB0] =	sst s10  }
0x32: {  	s10 =	sld [smem:$0x3FAE];
	_ =	sdelay $0x3  }
0x33: {  	p0 =	seq.s32 s10, $0x1;
	s10 =	sld [smem:$0x3FB0];
	_ =	sdelay $0x3  }
0x34: {  	[smem:$0x3FB0] =	sst s10  }
0x35: {  	s10 =	sld [smem:$0x3FAF];
	_ =	sdelay $0x3  }
0x36: {  	p1 =	seq.s32 s10, $0x1;
	s10 =	sld [smem:$0x3FB0];
	_ =	sdelay $0x3  }
0x37: {  	[smem:$0x3FB0] =	sst s10  }
0x38: {  	s10 =	sld [smem:$0x3FB1]  }
0x39: {  	_ = 	snop;
	(pc) =	sbr.ind lr, $3  }
0x3a: {  	_ = 	snop  }
0x3b: {  	_ = 	snop  }
0x3c: {  	p2 =	seq.s32 s10, $0x1;
	s10 =	sld [smem:$0x3FB0]  }
0x3d: {  	_ =	shalt  }
0x3e: {  	_ =	shalt  }
0x3f: {  	_ =	shalt  }
0x40: {  	_ =	shalt  }
0x41: {  	_ =	shalt  }
0x42: {  	_ =	shalt  }
0x43: {  	_ =	shalt  }
0x44: {  	_ =	shalt  }
0x45: {  	_ =	shalt  }
0x46: {  	_ =	shalt  }
0x47: {  	_ =	shalt  }
0x48: {  	_ =	shalt  }
0x49: {  	_ =	shalt  }
0x4a: {  	_ =	shalt  }
0x4b: {  	_ =	shalt  }
0x4c: {  	_ =	shalt  }
0x4d: {  	_ =	shalt  }
0x4e: {  	_ =	shalt  }
0x4f: {  	_ =	shalt  }
0x50: {  	_ =	shalt  }
0x51: {  	_ =	shalt  }
0x52: {  	_ =	shalt  }
0x53: {  	_ =	shalt  }
0x54: {  	_ =	shalt  }
0x55: {  	_ =	shalt  }
0x56: {  	_ =	shalt  }
0x57: {  	_ =	shalt  }
0x58: {  	_ =	shalt  }
0x59: {  	_ =	shalt  }
0x5a: {  	_ =	shalt  }
0x5b: {  	_ =	shalt  }
0x5c: {  	_ =	shalt  }
0x5d: {  	_ =	shalt  }
0x5e: {  	_ =	shalt  }
0x5f: {  	_ =	shalt  }
0x60: {  	_ =	shalt  }
0x61: {  	_ =	shalt  }
0x62: {  	_ =	shalt  }
0x63: {  	_ =	shalt  }
0x64: {  	_ =	shalt  }
0x65: {  	_ =	shalt  }
0x66: {  	_ =	shalt  }
0x67: {  	_ =	shalt  }
0x68: {  	_ =	shalt  }
0x69: {  	_ =	shalt  }
0x6a: {  	_ =	shalt  }
0x6b: {  	_ =	shalt  }
0x6c: {  	_ =	shalt  }
0x6d: {  	_ =	shalt  }
0x6e: {  	_ =	shalt  }
0x6f: {  	_ =	shalt  }
0x70: {  	_ =	shalt  }
0x71: {  	_ =	shalt  }
0x72: {  	_ =	shalt  }
0x73: {  	_ =	shalt  }
0x74: {  	_ =	shalt  }
0x75: {  	_ =	shalt  }
0x76: {  	_ =	shalt  }
0x77: {  	_ =	shalt  }
0x78: {  	_ =	shalt  }
0x79: {  	_ =	shalt  }
0x7a: {  	_ =	shalt  }
0x7b: {  	_ =	shalt  }
0x7c: {  	_ =	shalt  }
0x7d: {  	_ =	shalt  }
0x7e: {  	_ =	shalt  }
0x7f: {  	_ =	shalt  }
0x80: {  	_ =	shalt  }
0x81: {  	_ =	shalt  }
0x82: {  	_ =	shalt  }
0x83: {  	_ =	shalt  }
0x84: {  	_ =	shalt  }
0x85: {  	_ =	shalt  }
0x86: {  	_ =	shalt  }
0x87: {  	_ =	shalt  }
.Lfunc_end0:
.L_simem_size_0:
called_computation_lowered:
.L_overlay_start_0:
0x88: {  	s2 =	sld [smem:$0x3FD9]  }
0x89: {  	s3 =	sld [smem:$0x3FFE];
	_ =	sdelay $0x1  }
0x8a: {  	s1 =	srdreg.scid  }
0x8b: {  	s0 =	sand.u32 $0x1, s1  }
0x8c: {  	s17 =	sshll.u32 s0, $0xA;
	s2 =	sadd.s32 s3, s2  }
0x8d: {  	s2 =	sadd.s32 s2, s17  }
0x8e: {  	[smem:$0x3FBC] =	sst s2  }
0x8f: {  	_ = 	snop  }
0x90: {  	s2 =	sld [smem:$0x3FC8];
	(tm) =	ssettm $0x1  }
0x91: {  	s18 =	sld [smem:$0x3FFB];
	_ =	sdelay $0x3  }
0x92: {  	_ =	strace s18  }
0x93: {  	s3 =	sld [smem:$0x3FFC];
	_ =	sdelay $0x3  }
0x94: {  	_ =	strace s3  }
0x95: {  	s3 =	sld [smem:$0x3FFD];
	_ =	sdelay $0x3  }
0x96: {  	_ =	strace s3  }
0x97: {  	_ =	strace $0x8FFFFFFF  }
0x98: {  	s19 =	sld [smem:$0x3FDB];
	_ =	sdelay $0x1  }
0x99: {  	s4 =	simm.s32 $_scs_section_size  }
0x9a: {  	s5 =	simm.s32 $_size__tile_overlayer_lowered;
	s6 =	simm.s32 $_tile_overlayer_lowered  }
0x9b: {  	s22 =	simm.s32 $0x1BFF;
	s21 =	sshll.u32 s6, $0x1;
	s3 =	sadd.s32 s4, s19  }
0x9c: {  	s7 =	simm.s32 $0x0;
	s20 =	sshll.u32 s5, $0x1;
	s5 =	sadd.s32 s21, s3  }
0x9d: {  	[timem:s7], [sflag:s22] =	dma.local [hbm:s5], s20  }
0x9e: {  	_ =	swait.ge [sflag:s22], s20  }
0x9f: {  	s4 =	ssub.s32 $0x0, s20;
	[sflag:s22] =	ssyncset.done $0x0  }
0xa0: {  	[sflag:s22] =	ssyncadd.s32 s4;
	_ =	sdelay $0x1  }
0xa1: {  	s23 =	simm.s32 $0x1B8B  }
0xa2: {  	_ =	swait.ge [sflag:s23], $0x1  }
0xa3: {  	[sflag:s23] =	ssyncset.done $0x0  }
0xa4: {  	s25 =	simm.s32 $0x1B8E;
	s24 =	sld [smem:$0x3FFE];
	[sflag:s23] =	ssyncadd.s32 $0xFFFFFFFF  }
0xa5: {  	s26 =	simm.s32 $execute0_lowered;
	[smem:$0x3FD2] =	sst s25  }
0xa6: {  	s5 =	sshll.u32 s26, $0x1;
	_ =	strace $0x80000046;
	[dreg:$0x1] =	wrdreg $0xFFFFFFFF  }
0xa7: {  	s28 =	simm.s32 $_size_execute0_lowered;
	s3 =	sadd.s32 s3, s5;
	[dreg:$0x0] =	wrdreg $0x0  }
0xa8: {  	s5 =	sshll.u32 s28, $0x1;
	[dreg:$0x2] =	wrdreg s3  }
0xa9: {  	[dreg:$0x3] =	wrdreg s5  }
0xaa: {  	[dreg:$0x4] =	wrdreg $0xC0  }
0xab: {  	_ =	task [dreg:s7], $0x5FFFF  }
0xac: {  	[dreg:$0x1] =	wrdreg $0xFFFFFFFF  }
0xad: {  	[dreg:$0x0] =	wrdreg $0x60  }
0xae: {  	[dreg:$0x2] =	wrdreg s2  }
0xaf: {  	[dreg:$0x3] =	wrdreg s24  }
0xb0: {  	[dreg:$0x4] =	wrdreg $0xA  }
0xb1: {  	_ =	task.clear_ibuf [dreg:s7], $0x5FFFF;
	_ =	strace $0x90000046  }
0xb2: {  	s29 =	simm.s32 $0xA;
	_ =	strace $0x80000048  }
0xb3: {  	_ =	swait.ge [sflag:s29], $0x1  }
0xb4: {  	[sflag:s29] =	ssyncadd.s32 $0xFFFFFFFF  }
0xb5: {  	_ =	strace $0x90000048  }
0xb6: {  	_ =	sfence  }
0xb7: {  	s30 =	sld [smem:$0x0];
	_ =	sdelay $0x2  }
0xb8: {  	s31 =	sshll.u32 s1, $0xD;
	s1 =	sshrl.u32 s1, $0x2  }
0xb9: {  	s3 =	sand.u32 $0x4000, s31;
	s1 =	sadd.s32 s1, s30  }
0xba: {  	s0 =	sor.u32 s3, s0;
	s1 =	sshll.u32 s1, $0x11  }
0xbb: {  	s0 =	sor.u32 s1, s0  }
0xbc: {  	s0 =	sadd.s32 $0x8F2B, s0  }
0xbd: {  	[sflag:s0] =	ssyncadd.remote.s32 $0x1  }
0xbe: {  	_ =	sfence.sel $0xFFFF  }
0xbf: {  	[dreg:$0x0] =	wrdreg $0xFFFFFFFF;
	(pc) =	sbr.abs _section_cstart, $3  }
0xc0: {  	[dreg:$0x1] =	wrdreg $0xFFFFFFFF  }
0xc1: {  	_ =	task.clear_ibuf [dreg:s7], $0x2FFFF;
	_ =	strace $0x9FFFFFFF  }
0xc2: {  	(tm) =	ssettm $0x7FFFFFFF  }
0xc3: {  	_ =	shalt  }
tec
execute0_lowered:
.L_overlay_start_1:
0x0: {  	(tag) =	ssettag $0x1  }
0x1: {  	s5 =	rddreg [dreg:$0x0]  }
0x2: {  	s6 =	rddreg [dreg:$0x1]  }
0x3: {  	s0 =	rddreg [dreg:$0x2]  }
0x4: {  	s2 =	simm.s32 $0x0;
	s3 =	srdreg.scid;
	s1 =	stileid.u32  }
0x5: {  	s11 =	simm.s32 $0x200;
	s12 =	simm.s32 $0x2200;
	s13 =	simm.s32 $0x4200  }
0x6: {  	s14 =	simm.s32 $0x1;
	s15 =	simm.s32 $0x6200;
	s16 =	simm.s32 $0x8200  }
0x7: {  	s17 =	simm.s32 $0x0;
	[smem:$0x7FF] =	sst s2;
	s7 =	sand.u32 $0x1, s3  }
0x8: {  	s3 =	sadd.s32 $0x2E00, s6;
	s8 =	sshll.u32 s1, $0xA;
	s9 =	sshll.u32 s7, $0x9  }
0x9: {  	s4 =	sadd.s32 $0x33C00, s6;
	s7 =	ssub.s32 $0x2, s7;
	s8 =	sor.u32 s9, s8  }
0xa: {  	_ =	strace $0x80000047;
	s10 =	sshrl.u32 s7, $0x1;
	s9 =	sshll.u32 s8, $0x1  }
0xb: {  	s8 =	sshrl.u32 s8, $0x3;
	s10 =	ssub.s32 s7, s10;
	s9 =	sadd.s32 s9, s6  }
0xc: {  	v0 =	vlaneseq.u32;
	s5 =	sadd.s32 s5, s8;
	s8 =	smax.u32 s10, $0x1;
	s10 =	simm.s32 $0x2000  }
0xd: {  	v0 =	vmul.u32 $0x200, v0;
	s6 =	sadd.s32 $0x6CA00, s9;
	s7 =	sadd.s32 $0x64A00, s9;
	s9 =	simm.s32 $0x2  }
.LBB2_1:
0xe: {  	[tilespmem:s2], [sflag:$0x2] =	stream.linear.gather [hbm4b:s5+s2], $0x200, $0x38;
	[tilespmem:$0xA200] =	vst v63  }
0xf: {  	_ =	swait.ge [sflag:s9], $0x200  }
0x10: {  	[sflag:s9] =	ssyncset.done $0x0  }
0x11: {  	s18 =	simm.s32 $0x0;
	[sflag:s9] =	ssyncadd.s32 $0xFFFFFE00  }
0x12: {  	v6 =	vld [tilespmem:s18+$0x0];
	_ =	sdelay $0x4  }
0x13: {  	[tilespmem:s18+$0x200] =	vst v6;
	v1 =	vadd.s32 $0x16E360, v6  }
0x14: {  	v2 =	vadd.s32 $0x155CC0, v6;
	[tilespmem:s18+$0x2000] =	vst v1  }
0x15: {  	v4 =	vadd.s32 $0xAAE60, v6;
	[tilespmem:s18+$0x1E00] =	vst v2  }
0x16: {  	v7 =	vadd.s32 $0x927C0, v6;
	[tilespmem:s18+$0x1000] =	vst v4  }
0x17: {  	v1 =	vadd.s32 $0x13D620, v6;
	[tilespmem:s18+$0xE00] =	vst v7  }
0x18: {  	v2 =	vadd.s32 $0x124F80, v6;
	[tilespmem:s18+$0x1C00] =	vst v1  }
0x19: {  	v1 =	vadd.s32 $0xF4240, v6;
	[tilespmem:s18+$0x1A00] =	vst v2  }
0x1a: {  	v3 =	vadd.s32 $0x30D40, v6;
	v2 =	vadd.s32 $0xDBBA0, v6;
	[tilespmem:s18+$0x1600] =	vst v1  }
0x1b: {  	v5 =	vadd.s32 $0x61A80, v6;
	v4 =	vadd.s32 $0x493E0, v6;
	v1 =	vadd.s32 $0xC3500, v6;
	[tilespmem:s18+$0x1400] =	vst v2  }
0x1c: {  	s19 =	simm.s32 $0x40;
	v2 =	vadd.s32 $0x186A0, v6;
	[tilespmem:s18+$0x1200] =	vst v1;
	v1 =	vadd.s32 $0x10C8E0, v6;
	v6 =	vadd.s32 $0x7A120, v6  }
.LBB2_2:
0x1d: {  	s20 =	sshra.s32 s19, $0x2;
	p0 =	sne.s32 s19, $0x7C0;
	s19 =	sadd.s32 $0x40, s19;
	[tilespmem:s18+$0x400] =	vst v2  }
0x1e: {  	v7 =	vld [tilespmem:s20+$0x0];
	[tilespmem:s18+$0x600] =	vst v3  }
0x1f: {  	[tilespmem:s18+$0x800] =	vst v4  }
0x20: {  	[tilespmem:s18+$0xA00] =	vst v5  }
0x21: {  	[tilespmem:s18+$0xC00] =	vst v6  }
0x22: {  	[tilespmem:s18+$0x1800] =	vst v1;
	s18 =	smov.u32 s20  }
0x23: {  	[tilespmem:s18+$0x200] =	vst v7;
	v2 =	vadd.s32 $0x186A0, v7;
	v1 =	vadd.s32 $0x10C8E0, v7;
	v4 =	vadd.s32 $0x16E360, v7  }
0x24: {  	v3 =	vadd.s32 $0x30D40, v7;
	v8 =	vadd.s32 $0x927C0, v7;
	v5 =	vadd.s32 $0x155CC0, v7;
	[tilespmem:s18+$0x2000] =	vst v4  }
0x25: {  	v9 =	vadd.s32 $0xAAE60, v7;
	v6 =	vadd.s32 $0x13D620, v7;
	v4 =	vadd.s32 $0x493E0, v7;
	[tilespmem:s18+$0x1E00] =	vst v5  }
0x26: {  	v10 =	vadd.s32 $0xC3500, v7;
	v11 =	vadd.s32 $0x124F80, v7;
	v5 =	vadd.s32 $0x61A80, v7;
	[tilespmem:s18+$0x1C00] =	vst v6  }
0x27: {  	v12 =	vadd.s32 $0xDBBA0, v7;
	v6 =	vadd.s32 $0x7A120, v7;
	v7 =	vadd.s32 $0xF4240, v7;
	[tilespmem:s18+$0x1A00] =	vst v11  }
.Ltmp0:
0x28: {  	[tilespmem:s18+$0x1600] =	vst v7;
	(pc) =	sbr.rel @p0 .LBB2_2-.Ltmp0, $4  }
0x29: {  	[tilespmem:s18+$0x1400] =	vst v12  }
0x2a: {  	[tilespmem:s18+$0x1200] =	vst v10  }
0x2b: {  	[tilespmem:s18+$0x1000] =	vst v9  }
0x2c: {  	[tilespmem:s18+$0xE00] =	vst v8  }
0x2d: {  	[tilespmem:s18+$0x400] =	vst v2  }
0x2e: {  	[tilespmem:s18+$0x600] =	vst v3  }
0x2f: {  	[tilespmem:s18+$0x800] =	vst v4  }
0x30: {  	[tilespmem:s18+$0xA00] =	vst v5  }
0x31: {  	[tilespmem:s18+$0xC00] =	vst v6  }
0x32: {  	[tilespmem:s18+$0x1800] =	vst v1  }
0x33: {  	[tilespmem:s12], [sflag:$0x1] =	stream.indirect.gather [hbm4b:s3+s10], $0x1, s11, s10, $0xb8;
	[tilespmem:$0xA200] =	vst v63  }
0x34: {  	_ = 	snop  }
0x35: {  	[tilespmem:s13], [sflag:$0x1] =	stream.indirect.gather [hbm4b:s4+s10], $0x1, s11, s10, $0xb8;
	[tilespmem:$0xA200] =	vst v63  }
0x36: {  	s29 =	simm.s32 $0x0;
	_ =	swait.ge [sflag:s14], $0x2000  }
0x37: {  	v1 =	vor.u32 s29, v0;
	[sflag:s14] =	ssyncset.done $0x0  }
0x38: {  	[sflag:s14] =	ssyncadd.s32 $0xFFFFE000  }
0x39: {  	_ =	swait.ge [sflag:s14], $0x2000  }
0x3a: {  	[sflag:s14] =	ssyncset.done $0x0  }
0x3b: {  	[sflag:s14] =	ssyncadd.s32 $0xFFFFE000  }
0x3c: {  	v2 =	vld.idx.msk [tilespmem:v1+s12+$0x0], $0xffff;
	_ =	sdelay $0x3  }
0x3d: {  	s30 =	simm.s32 $0x6200  }
0x3e: {  	[tilespmem:s30+$0x0] =	vst v2  }
0x3f: {  	s31 =	simm.s32 $0x1;
	v1 =	vld.idx.msk [tilespmem:v1+s13+$0x0], $0xffff  }
0x40: {  	v2 =	vor.u32 s31, v0;
	_ =	sdelay $0x2  }
0x41: {  	s18 =	simm.s32 $0x8200  }
0x42: {  	[tilespmem:s18+$0x0] =	vst v1  }
0x43: {  	v1 =	vld.idx.msk [tilespmem:v2+s12+$0x0], $0xffff;
	_ =	sdelay $0x3  }
0x44: {  	s19 =	simm.s32 $0x6210  }
0x45: {  	[tilespmem:s19+$0x0] =	vst v1  }
0x46: {  	s20 =	simm.s32 $0x2;
	v2 =	vld.idx.msk [tilespmem:v2+s13+$0x0], $0xffff  }
0x47: {  	v1 =	vor.u32 s20, v0;
	s20 =	simm.s32 $0x3  }
.LBB2_4:
0x48: {  	p0 =	sne.s32 s20, $0x1FF;
	_ =	sdelay $0x1  }
0x49: {  	s18 =	sadd.s32 $0x10, s18  }
0x4a: {  	[tilespmem:s18+$0x0] =	vst v2  }
0x4b: {  	v2 =	vld.idx.msk [tilespmem:v1+s12+$0x0], $0xffff;
	_ =	sdelay $0x4  }
.Ltmp1:
0x4c: {  	s19 =	sadd.s32 $0x10, s19;
	(pc) =	sbr.rel @p0 .LBB2_4-.Ltmp1, $3  }
0x4d: {  	[tilespmem:s19+$0x0] =	vst v2  }
0x4e: {  	v2 =	vld.idx.msk [tilespmem:v1+s13+$0x0], $0xffff;
	_ =	sdelay $0x1  }
0x4f: {  	v1 =	vor.u32 s20, v0;
	s20 =	sadd.s32 $0x1, s20  }
0x50: {  	_ =	sdelay $0x1  }
0x51: {  	s18 =	sadd.s32 $0x10, s18  }
0x52: {  	[tilespmem:s18+$0x0] =	vst v2  }
0x53: {  	v2 =	vld.idx.msk [tilespmem:v1+s12+$0x0], $0xffff;
	_ =	sdelay $0x3  }
0x54: {  	s19 =	sadd.s32 $0x10, s19  }
0x55: {  	[tilespmem:s19+$0x0] =	vst v2  }
0x56: {  	v1 =	vld.idx.msk [tilespmem:v1+s13+$0x0], $0xffff;
	_ =	sdelay $0x3  }
0x57: {  	s18 =	sadd.s32 $0x10, s18  }
0x58: {  	[tilespmem:s18+$0x0] =	vst v1  }
0x59: {  	[hbm4b:s6+s2] =	stream.linear.scatter [tilespmem:s15], [sflag:$0x2], $0x2000, $0x38;
	[tilespmem:$0xA200] =	vst v63  }
0x5a: {  	s17 =	sadd.s32 $0x1, s17;
	_ =	swait.ge [sflag:s9], $0x2000  }
0x5b: {  	p0 =	sne.s32 s17, s8;
	[sflag:s9] =	ssyncset.done $0x0  }
.Ltmp2:
0x5c: {  	[sflag:s9] =	ssyncadd.s32 $0xFFFFE000;
	(pc) =	sbr.rel @p0 .LBB2_1-.Ltmp2, $4  }
0x5d: {  	[hbm4b:s7+s2] =	stream.linear.scatter [tilespmem:s16], [sflag:$0x2], $0x2000, $0x38;
	[tilespmem:$0xA200] =	vst v63  }
0x5e: {  	_ =	swait.ge [sflag:s9], $0x2000  }
0x5f: {  	[sflag:s9] =	ssyncset.done $0x0  }
0x60: {  	[sflag:s9] =	ssyncadd.s32 $0xFFFFE000  }
0x61: {  	_ =	sfence.sel $0x180000  }
0x62: {  	[bflag:$0x0] =	sbarrier.arrive $0xFFFF  }
0x63: {  	p0 =	sne.s32 s1, $0x0;
	_ =	strace $0x90000047  }
0x64: {  	s0 =	sadd.s32 @!p0 $0x100000, s0;
	[bflag:$0x2] =	sbarrier.arrive $0xFFFF  }
0x65: {  	[sflag:s0] =	ssyncadd.tile.s32 @!p0 $0x1;
	_ =	shalt  }
.Lfunc_end2:
_tile_overlayer_lowered:
.L_overlay_start_2:
0x66: {  	(tag) =	ssettag $0x2  }
0x67: {  	s0 =	rddreg [dreg:$0x0];
	s2 =	stileid.u32  }
0x68: {  	s1 =	rddreg [dreg:$0x1];
	p0 =	sne.s32 s2, $0x0  }
0x69: {  	s3 =	rddreg [dreg:$0x2];
	[bflag:$0x3] =	sbarrier.arrive $0xFFFF;
	s2 =	simm.s32 @!p0 $0x1C02  }
0x6a: {  	[timem:s3], [sflag:s2] =	dma.local @!p0 [hbm:s0], s1  }
0x6b: {  	s0 =	simm.s32 @!p0 $0x2  }
0x6c: {  	_ =	swait.ge @!p0 [sflag:s0], s1  }
0x6d: {  	s1 =	ssub.s32 @!p0 $0x0, s1;
	[sflag:s0] =	ssyncset.done @!p0 $0x0  }
0x6e: {  	[sflag:s0] =	ssyncadd.s32 @!p0 s1  }
0x6f: {  	[bflag:$0x3] =	sbarrier.arrive $0xFFFF  }
0x70: {  	_ =	shalt  }

</sc_bundles>
